<compile_context>
chip_gen: v7x
topology: tpu7x:2x2x1
jax: 0.10.2.dev20260603
libtpu: 0.0.44.dev20260713+nightly
codegen_flags: <defaults>
</compile_context>

<pallas_src>
import functools

import jax
import jax.numpy as jnp
from jax import lax
from jax.experimental import pallas as pl
from jax.experimental.pallas import tpu as pltpu
from jax.experimental.pallas import tpu_sc as plsc

NUM_CORES = 2
NUM_SUBCORES = 16
NW = NUM_CORES * NUM_SUBCORES
LANES = 16
CHUNK = 128


def _sc_mesh():
    return plsc.VectorSubcoreMesh(
        core_axis_name="c", subcore_axis_name="s",
        num_cores=NUM_CORES, num_subcores=NUM_SUBCORES)


def _pre_body(h_ref, w1s_ref, w1t_ref, b1_ref, a_ref, b_ref):
    h = h_ref[...]
    a_ref[...] = jnp.dot(h, w1s_ref[...], preferred_element_type=jnp.float32) + b1_ref[...]
    b_ref[...] = jnp.dot(h, w1t_ref[...], preferred_element_type=jnp.float32)


def _precompute(h, w1s, w1t, b1, block=2000):
    n, d = h.shape
    hh = w1s.shape[1]
    grid = n // block
    return pl.pallas_call(
        _pre_body,
        grid=(grid,),
        in_specs=[
            pl.BlockSpec((block, d), lambda i: (i, 0)),
            pl.BlockSpec((d, hh), lambda i: (0, 0)),
            pl.BlockSpec((d, hh), lambda i: (0, 0)),
            pl.BlockSpec((1, hh), lambda i: (0, 0)),
        ],
        out_specs=[
            pl.BlockSpec((block, hh), lambda i: (i, 0)),
            pl.BlockSpec((block, hh), lambda i: (i, 0)),
        ],
        out_shape=[
            jax.ShapeDtypeStruct((n, hh), jnp.float32),
            jax.ShapeDtypeStruct((n, hh), jnp.float32),
        ],
    )(h, w1s, w1t, b1)


def _make_gather(n, e, hh):
    c_total = e // CHUNK
    base = c_total // NW
    extra = c_total % NW

    @functools.partial(
        pl.kernel,
        out_type=(
            jax.ShapeDtypeStruct((e, hh), jnp.float32),
            jax.ShapeDtypeStruct((e, hh), jnp.float32),
            jax.ShapeDtypeStruct((e,), jnp.float32),
        ),
        mesh=_sc_mesh(),
        compiler_params=pltpu.CompilerParams(needs_layout_passes=False),
        scratch_types=[
            pltpu.VMEM((n,), jnp.float32),
            pltpu.VMEM((n,), jnp.float32),
            pltpu.VMEM((n,), jnp.float32),
            pltpu.VMEM((CHUNK,), jnp.int32),
            pltpu.VMEM((CHUNK,), jnp.int32),
            pltpu.VMEM((CHUNK, hh), jnp.float32),
            pltpu.VMEM((CHUNK, hh), jnp.float32),
            pltpu.VMEM((CHUNK,), jnp.float32),
            pltpu.SemaphoreType.DMA,
            pltpu.SemaphoreType.DMA,
        ],
    )
    def gather_kernel(a_hbm, b_hbm, row_hbm, col_hbm, cx_hbm, cy_hbm, cz_hbm,
                      ar_hbm, bc_hbm, rad_hbm,
                      cx_v, cy_v, cz_v, idxr_v, idxc_v, a_v, b_v, rad_v,
                      sem_a, sem_b):
        cid = lax.axis_index("c")
        sid = lax.axis_index("s")
        wid = sid * NUM_CORES + cid
        pltpu.sync_copy(cx_hbm, cx_v)
        pltpu.sync_copy(cy_hbm, cy_v)
        pltpu.sync_copy(cz_hbm, cz_v)
        start = wid * base + jnp.minimum(wid, extra)
        count = base + (wid < extra).astype(jnp.int32)

        def body(i, carry):
            g = (start + i) * CHUNK
            pltpu.sync_copy(row_hbm.at[pl.ds(g, CHUNK)], idxr_v)
            pltpu.sync_copy(col_hbm.at[pl.ds(g, CHUNK)], idxc_v)
            cpa = pltpu.async_copy(a_hbm.at[idxr_v], a_v, sem_a)
            cpb = pltpu.async_copy(b_hbm.at[idxc_v], b_v, sem_b)
            for j in range(CHUNK // LANES):
                s = pl.ds(j * LANES, LANES)
                ir = idxr_v[s]
                ic = idxc_v[s]
                dx = plsc.load_gather(cx_v, [ir]) - plsc.load_gather(cx_v, [ic])
                dy = plsc.load_gather(cy_v, [ir]) - plsc.load_gather(cy_v, [ic])
                dz = plsc.load_gather(cz_v, [ir]) - plsc.load_gather(cz_v, [ic])
                rad_v[s] = dx * dx + dy * dy + dz * dz
            pltpu.sync_copy(rad_v, rad_hbm.at[pl.ds(g, CHUNK)])
            cpa.wait()
            cpb.wait()
            pltpu.sync_copy(a_v, ar_hbm.at[pl.ds(g, CHUNK), :])
            pltpu.sync_copy(b_v, bc_hbm.at[pl.ds(g, CHUNK), :])
            return carry

        lax.fori_loop(0, count, body, 0)

    return gather_kernel


def _edge_body(ar_ref, bc_ref, rad_ref, w1r_ref, w2_ref, b2_ref, out_ref):
    x = ar_ref[...] + bc_ref[...] + rad_ref[...] * w1r_ref[...]
    x = x * jax.nn.sigmoid(x)
    y = jnp.dot(x, w2_ref[...], preferred_element_type=jnp.float32) + b2_ref[...]
    out_ref[...] = y * jax.nn.sigmoid(y)


def _edge_mlp(ar, bc, rad, w1r, w2, b2, block=2560):
    e, hh = ar.shape
    grid = e // block
    return pl.pallas_call(
        _edge_body,
        grid=(grid,),
        in_specs=[
            pl.BlockSpec((block, hh), lambda i: (i, 0)),
            pl.BlockSpec((block, hh), lambda i: (i, 0)),
            pl.BlockSpec((block, 1), lambda i: (i, 0)),
            pl.BlockSpec((1, hh), lambda i: (0, 0)),
            pl.BlockSpec((hh, hh), lambda i: (0, 0)),
            pl.BlockSpec((1, hh), lambda i: (0, 0)),
        ],
        out_specs=pl.BlockSpec((block, hh), lambda i: (i, 0)),
        out_shape=jax.ShapeDtypeStruct((e, hh), jnp.float32),
    )(ar, bc, rad, w1r, w2, b2)


def _make_scatter(n, e, hh):
    c_total = e // CHUNK
    base = c_total // NW
    extra = c_total % NW
    n_pad = ((n + NUM_SUBCORES * CHUNK - 1) // (NUM_SUBCORES * CHUNK)) * NUM_SUBCORES * CHUNK
    rows_per_tile = n_pad // NUM_SUBCORES
    zchunk = CHUNK
    nz = rows_per_tile // zchunk

    @functools.partial(
        pl.kernel,
        out_type=jax.ShapeDtypeStruct((NUM_CORES, n_pad, hh), jnp.float32),
        mesh=_sc_mesh(),
        compiler_params=pltpu.CompilerParams(needs_layout_passes=False),
        scratch_types=[
            pltpu.VMEM_SHARED((n_pad, hh), jnp.float32),
            pltpu.VMEM((1, CHUNK), jnp.int32),
            pltpu.VMEM((CHUNK, hh), jnp.float32),
            pltpu.VMEM((zchunk, hh), jnp.float32),
        ],
    )
    def scatter_kernel(ef_hbm, row_hbm, zero_hbm, out_hbm,
                       agg_sh, idx_v, ef_v, buf_v):
        cid = lax.axis_index("c")
        sid = lax.axis_index("s")
        wid = sid * NUM_CORES + cid
        pltpu.sync_copy(zero_hbm, buf_v)
        for k in range(nz):
            pltpu.sync_copy(
                buf_v, agg_sh.at[pl.ds(sid * rows_per_tile + k * zchunk, zchunk), :])
        plsc.subcore_barrier()
        start = wid * base + jnp.minimum(wid, extra)
        count = base + (wid < extra).astype(jnp.int32)

        def body(i, carry):
            g = (start + i) * CHUNK
            pltpu.sync_copy(row_hbm.at[pl.ds(g, CHUNK)], idx_v.at[0])
            pltpu.sync_copy(ef_hbm.at[pl.ds(g, CHUNK), :], ef_v)
            pltpu.sync_copy(ef_v, agg_sh.at[idx_v.at[0]], add=True)
            return carry

        lax.fori_loop(0, count, body, 0)
        plsc.subcore_barrier()
        for k in range(nz):
            r = sid * rows_per_tile + k * zchunk
            pltpu.sync_copy(agg_sh.at[pl.ds(r, zchunk), :], buf_v)
            pltpu.sync_copy(buf_v, out_hbm.at[cid, pl.ds(r, zchunk), :])

    return scatter_kernel


def _node_body(h_ref, p0_ref, p1_ref, wa_ref, wb_ref, b1_ref, w2_ref, b2_ref,
               o_ref):
    h = h_ref[...]
    agg = p0_ref[...] + p1_ref[...]
    z = (jnp.dot(h, wa_ref[...], preferred_element_type=jnp.float32)
         + jnp.dot(agg, wb_ref[...], preferred_element_type=jnp.float32)
         + b1_ref[...])
    z = z * jax.nn.sigmoid(z)
    o_ref[...] = h + jnp.dot(z, w2_ref[...], preferred_element_type=jnp.float32) + b2_ref[...]


def _node_mlp(h, p0, p1, wa, wb, b1, w2, b2, block=2000):
    n, d = h.shape
    hh = wa.shape[1]
    grid = n // block
    return pl.pallas_call(
        _node_body,
        grid=(grid,),
        in_specs=[
            pl.BlockSpec((block, d), lambda i: (i, 0)),
            pl.BlockSpec((block, hh), lambda i: (i, 0)),
            pl.BlockSpec((block, hh), lambda i: (i, 0)),
            pl.BlockSpec((d, hh), lambda i: (0, 0)),
            pl.BlockSpec((hh, hh), lambda i: (0, 0)),
            pl.BlockSpec((1, hh), lambda i: (0, 0)),
            pl.BlockSpec((hh, d), lambda i: (0, 0)),
            pl.BlockSpec((1, d), lambda i: (0, 0)),
        ],
        out_specs=pl.BlockSpec((block, d), lambda i: (i, 0)),
        out_shape=jax.ShapeDtypeStruct((n, d), jnp.float32),
    )(h, p0, p1, wa, wb, b1, w2, b2)


def kernel(h, edge_index, coord, W_e1, b_e1, W_e2, b_e2, W_n1, b_n1, W_n2, b_n2):
    n, d = h.shape
    e = edge_index.shape[1]
    hh = W_e2.shape[0]

    row = edge_index[0]
    col = edge_index[1]
    w1s = W_e1[:d]
    w1t = W_e1[d:2 * d]
    w1r = W_e1[2 * d:]

    a, b = _precompute(h, w1s, w1t, b_e1.reshape(1, hh))

    cx = coord[:, 0]
    cy = coord[:, 1]
    cz = coord[:, 2]
    ar, bc, rad = _make_gather(n, e, hh)(a, b, row, col, cx, cy, cz)

    ef = _edge_mlp(ar, bc, rad.reshape(e, 1), w1r, W_e2, b_e2.reshape(1, hh))

    zeros = jnp.zeros((CHUNK, hh), jnp.float32)
    parts = _make_scatter(n, e, hh)(ef, row, zeros)

    return _node_mlp(h, parts[0, :n], parts[1, :n], W_n1[:d], W_n1[d:],
                     b_n1.reshape(1, hh), W_n2, b_n2.reshape(1, d))

# --- scband reference (transcript-rebuilt; emitter-appended) ---
"""Pipeline reference for scband-e-gcl-encode-33200097198204 (READ-ONLY COPY).

The authoritative reference and input builder live on the scoring server;
editing this copy changes nothing except your own understanding.
"""

import jax, jax.numpy as jnp
import numpy as np

N = 10000
E = 320000
D = 128
H = 128
EDGE_IN = 2 * D + 1  # source, target, radial


def setup_inputs(seed: int = 0) -> dict:
    key = jax.random.key(seed)
    ks = jax.random.split(key, 12)
    h = jax.random.normal(ks[0], (N, D), dtype=jnp.float32)
    edge_index = jax.random.randint(ks[1], (2, E), 0, N, dtype=jnp.int32)
    coord = jax.random.normal(ks[2], (N, 3), dtype=jnp.float32)
    def lin(k, fan_in, fan_out):
        bound = 1.0 / np.sqrt(fan_in)
        kw, kb = jax.random.split(k)
        W = jax.random.uniform(kw, (fan_in, fan_out), minval=-bound, maxval=bound, dtype=jnp.float32)
        b = jax.random.uniform(kb, (fan_out,), minval=-bound, maxval=bound, dtype=jnp.float32)
        return W, b
    W_e1, b_e1 = lin(ks[3], EDGE_IN, H)
    W_e2, b_e2 = lin(ks[4], H, H)
    W_n1, b_n1 = lin(ks[5], H + D, H)
    W_n2, b_n2 = lin(ks[6], H, D)
    return {
        "h": h, "edge_index": edge_index, "coord": coord,
        "W_e1": W_e1, "b_e1": b_e1, "W_e2": W_e2, "b_e2": b_e2,
        "W_n1": W_n1, "b_n1": b_n1, "W_n2": W_n2, "b_n2": b_n2,
    }


def reference(h, edge_index, coord, W_e1, b_e1, W_e2, b_e2, W_n1, b_n1, W_n2, b_n2):
    row = edge_index[0]
    col = edge_index[1]
    # coord2radial (normalize=False)
    coord_diff = coord[row] - coord[col]
    radial = jnp.sum(coord_diff ** 2, axis=1, keepdims=True)
    # edge_model: gather source/target node features, concat with radial, MLP
    source = jnp.take(h, row, axis=0)
    target = jnp.take(h, col, axis=0)
    e_in = jnp.concatenate([source, target, radial], axis=1)
    edge_feat = jax.nn.silu(e_in @ W_e1 + b_e1)
    edge_feat = jax.nn.silu(edge_feat @ W_e2 + b_e2)
    # node_model: unsorted_segment_sum over destination (row), *1.0 ave, concat, MLP, residual
    agg = jax.ops.segment_sum(edge_feat, row, num_segments=h.shape[0])
    n_in = jnp.concatenate([h, agg], axis=1)
    out = jax.nn.silu(n_in @ W_n1 + b_n1) @ W_n2 + b_n2
    return h + out

if __name__ == "__main__":
    import jax
    _d = setup_inputs()
    print(jax.jit(kernel)(*tuple(_d.values())))

</pallas_src>

<mosaic_0001>
#map = affine_map<(d0, d1) -> (0, 0)>
#map1 = affine_map<(d0, d1) -> (0)>
module attributes {stable_mosaic.version = 14 : i64} {
  func.func @gather_kernel(%arg0: i32, %arg1: i32, %arg2: memref<10000x128xf32, #tpu.memory_space<hbm>>, %arg3: memref<10000x128xf32, #tpu.memory_space<hbm>>, %arg4: memref<320000xi32, #tpu.memory_space<hbm>>, %arg5: memref<320000xi32, #tpu.memory_space<hbm>>, %arg6: memref<10000xf32, #tpu.memory_space<hbm>>, %arg7: memref<10000xf32, #tpu.memory_space<hbm>>, %arg8: memref<10000xf32, #tpu.memory_space<hbm>>, %arg9: memref<320000x128xf32, #tpu.memory_space<hbm>>, %arg10: memref<320000x128xf32, #tpu.memory_space<hbm>>, %arg11: memref<320000xf32, #tpu.memory_space<hbm>>, %arg12: memref<10000xf32, #tpu.memory_space<vmem>>, %arg13: memref<10000xf32, #tpu.memory_space<vmem>>, %arg14: memref<10000xf32, #tpu.memory_space<vmem>>, %arg15: memref<128xi32, #tpu.memory_space<vmem>>, %arg16: memref<128xi32, #tpu.memory_space<vmem>>, %arg17: memref<128x128xf32, #tpu.memory_space<vmem>>, %arg18: memref<128x128xf32, #tpu.memory_space<vmem>>, %arg19: memref<128xf32, #tpu.memory_space<vmem>>, %arg20: memref<!tpu.dma_semaphore, #tpu.memory_space<semaphore_mem>>, %arg21: memref<!tpu.dma_semaphore, #tpu.memory_space<semaphore_mem>>) attributes {dimension_semantics = [#tpu.dimension_semantics<core_parallel>, #tpu.dimension_semantics<subcore_parallel>], iteration_bounds = array<i64: 2, 16>, scalar_prefetch = 0 : i64, scratch_operands = 10 : i64, tpu.core_type = #tpu.core_type<sc_vector_subcore>, window_params = [{transform_indices = #map}, {transform_indices = #map}, {transform_indices = #map1}, {transform_indices = #map1}, {transform_indices = #map1}, {transform_indices = #map1}, {transform_indices = #map1}, {transform_indices = #map}, {transform_indices = #map}, {transform_indices = #map1}]} {
    %mul3A = arith.constant 2 : i32
    %mul3A_0 = arith.muli %arg1, %mul3A : i32
    %add3A = arith.addi %mul3A_0, %arg0 : i32
    "tpu.region"() ({
      %run_scoped3A = tpu.sem_alloc : memref<!tpu.dma_semaphore, #tpu.memory_space<semaphore_mem>>
      tpu.enqueue_dma source(%arg6 : memref<10000xf32, #tpu.memory_space<hbm>>) target(%arg12 : memref<10000xf32, #tpu.memory_space<vmem>>) target_semaphore(%run_scoped3A : memref<!tpu.dma_semaphore, #tpu.memory_space<semaphore_mem>>)
      tpu.wait_dma2 semaphore(%run_scoped3A : memref<!tpu.dma_semaphore, #tpu.memory_space<semaphore_mem>>) src(%arg6 : memref<10000xf32, #tpu.memory_space<hbm>>) dst(%arg12 : memref<10000xf32, #tpu.memory_space<vmem>>)
      tpu.yield
    }) : () -> ()
    "tpu.region"() ({
      %run_scoped3A = tpu.sem_alloc : memref<!tpu.dma_semaphore, #tpu.memory_space<semaphore_mem>>
      tpu.enqueue_dma source(%arg7 : memref<10000xf32, #tpu.memory_space<hbm>>) target(%arg13 : memref<10000xf32, #tpu.memory_space<vmem>>) target_semaphore(%run_scoped3A : memref<!tpu.dma_semaphore, #tpu.memory_space<semaphore_mem>>)
      tpu.wait_dma2 semaphore(%run_scoped3A : memref<!tpu.dma_semaphore, #tpu.memory_space<semaphore_mem>>) src(%arg7 : memref<10000xf32, #tpu.memory_space<hbm>>) dst(%arg13 : memref<10000xf32, #tpu.memory_space<vmem>>)
      tpu.yield
    }) : () -> ()
    "tpu.region"() ({
      %run_scoped3A = tpu.sem_alloc : memref<!tpu.dma_semaphore, #tpu.memory_space<semaphore_mem>>
      tpu.enqueue_dma source(%arg8 : memref<10000xf32, #tpu.memory_space<hbm>>) target(%arg14 : memref<10000xf32, #tpu.memory_space<vmem>>) target_semaphore(%run_scoped3A : memref<!tpu.dma_semaphore, #tpu.memory_space<semaphore_mem>>)
      tpu.wait_dma2 semaphore(%run_scoped3A : memref<!tpu.dma_semaphore, #tpu.memory_space<semaphore_mem>>) src(%arg8 : memref<10000xf32, #tpu.memory_space<hbm>>) dst(%arg14 : memref<10000xf32, #tpu.memory_space<vmem>>)
      tpu.yield
    }) : () -> ()
    %mul3A_1 = arith.constant 78 : i32
    %mul3A_2 = arith.muli %add3A, %mul3A_1 : i32
    %min3A = arith.constant 4 : i32
    %min3A_3 = arith.minsi %add3A, %min3A : i32
    %add3A_4 = arith.addi %mul3A_2, %min3A_3 : i32
    %lt3A = arith.constant 4 : i32
    %lt3A_5 = arith.cmpi slt, %add3A, %lt3A : i32
    %convert_element_type3A = arith.extui %lt3A_5 : i1 to i32
    %add3A_6 = arith.constant 78 : i32
    %add3A_7 = arith.addi %add3A_6, %convert_element_type3A : i32
    %while3A = arith.constant 0 : i32
    %while3A_8 = arith.constant 0 : i32
    %while3A_9 = arith.subi %add3A_7, %while3A_8 : i32
    %while3A_10 = arith.addi %while3A_8, %while3A_9 : i32
    %while3A_11 = arith.constant 1 : i32
    %while3A_12 = arith.divsi %while3A_9, %while3A_11 : i32
    %while3A_13 = arith.muli %while3A_12, %while3A_11 : i32
    %while3A_14 = arith.addi %while3A_8, %while3A_13 : i32
    %while3A_15 = arith.constant 1 : i32
    scf.for %while3A_17 = %while3A_8 to %while3A_14 step %while3A_15  : i32 {
      %add3A_18 = arith.addi %add3A_4, %while3A_17 : i32
      %mul3A_19 = arith.constant 128 : i32
      %mul3A_20 = arith.muli %add3A_18, %mul3A_19 : i32
      "tpu.region"() ({
        %run_scoped3A = tpu.sem_alloc : memref<!tpu.dma_semaphore, #tpu.memory_space<semaphore_mem>>
        %dma_start3A_187 = tpu.memref_slice %arg4[%mul3A_20] : memref<320000xi32, #tpu.memory_space<hbm>> -> memref<128xi32, #tpu.memory_space<hbm>>
        %dma_start3A_188 = tpu.memref_slice %arg4[%mul3A_20] : memref<320000xi32, #tpu.memory_space<hbm>> -> memref<128xi32, #tpu.memory_space<hbm>>
        tpu.enqueue_dma source(%dma_start3A_188 : memref<128xi32, #tpu.memory_space<hbm>>) target(%arg15 : memref<128xi32, #tpu.memory_space<vmem>>) target_semaphore(%run_scoped3A : memref<!tpu.dma_semaphore, #tpu.memory_space<semaphore_mem>>)
        %dma_wait3A_189 = tpu.memref_slice %arg4[%mul3A_20] : memref<320000xi32, #tpu.memory_space<hbm>> -> memref<128xi32, #tpu.memory_space<hbm>>
        %dma_wait3A_190 = tpu.memref_slice %arg4[%mul3A_20] : memref<320000xi32, #tpu.memory_space<hbm>> -> memref<128xi32, #tpu.memory_space<hbm>>
        tpu.wait_dma2 semaphore(%run_scoped3A : memref<!tpu.dma_semaphore, #tpu.memory_space<semaphore_mem>>) src(%dma_wait3A_190 : memref<128xi32, #tpu.memory_space<hbm>>) dst(%arg15 : memref<128xi32, #tpu.memory_space<vmem>>)
        tpu.yield
      }) : () -> ()
      "tpu.region"() ({
        %run_scoped3A = tpu.sem_alloc : memref<!tpu.dma_semaphore, #tpu.memory_space<semaphore_mem>>
        %dma_start3A_187 = tpu.memref_slice %arg5[%mul3A_20] : memref<320000xi32, #tpu.memory_space<hbm>> -> memref<128xi32, #tpu.memory_space<hbm>>
        %dma_start3A_188 = tpu.memref_slice %arg5[%mul3A_20] : memref<320000xi32, #tpu.memory_space<hbm>> -> memref<128xi32, #tpu.memory_space<hbm>>
        tpu.enqueue_dma source(%dma_start3A_188 : memref<128xi32, #tpu.memory_space<hbm>>) target(%arg16 : memref<128xi32, #tpu.memory_space<vmem>>) target_semaphore(%run_scoped3A : memref<!tpu.dma_semaphore, #tpu.memory_space<semaphore_mem>>)
        %dma_wait3A_189 = tpu.memref_slice %arg5[%mul3A_20] : memref<320000xi32, #tpu.memory_space<hbm>> -> memref<128xi32, #tpu.memory_space<hbm>>
        %dma_wait3A_190 = tpu.memref_slice %arg5[%mul3A_20] : memref<320000xi32, #tpu.memory_space<hbm>> -> memref<128xi32, #tpu.memory_space<hbm>>
        tpu.wait_dma2 semaphore(%run_scoped3A : memref<!tpu.dma_semaphore, #tpu.memory_space<semaphore_mem>>) src(%dma_wait3A_190 : memref<128xi32, #tpu.memory_space<hbm>>) dst(%arg16 : memref<128xi32, #tpu.memory_space<vmem>>)
        tpu.yield
      }) : () -> ()
      %dma_start3A = arith.constant 0 : i32
      %dma_start3A_21 = arith.constant 0 : i32
      %dma_start3A_22 = tpu.memref_slice %arg2[%dma_start3A, %dma_start3A_21] : memref<10000x128xf32, #tpu.memory_space<hbm>> -> memref<10000x128xf32, #tpu.memory_space<hbm>>
      tpu.enqueue_indirect_dma source(%dma_start3A_22 : memref<10000x128xf32, #tpu.memory_space<hbm>>) target(%arg17 : memref<128x128xf32, #tpu.memory_space<vmem>>) offsets(%arg15 : memref<128xi32, #tpu.memory_space<vmem>>) semaphore(%arg20 : memref<!tpu.dma_semaphore, #tpu.memory_space<semaphore_mem>>)
      %dma_start3A_23 = arith.constant 0 : i32
      %dma_start3A_24 = arith.constant 0 : i32
      %dma_start3A_25 = tpu.memref_slice %arg3[%dma_start3A_23, %dma_start3A_24] : memref<10000x128xf32, #tpu.memory_space<hbm>> -> memref<10000x128xf32, #tpu.memory_space<hbm>>
      tpu.enqueue_indirect_dma source(%dma_start3A_25 : memref<10000x128xf32, #tpu.memory_space<hbm>>) target(%arg18 : memref<128x128xf32, #tpu.memory_space<vmem>>) offsets(%arg16 : memref<128xi32, #tpu.memory_space<vmem>>) semaphore(%arg21 : memref<!tpu.dma_semaphore, #tpu.memory_space<semaphore_mem>>)
      %get3A = arith.constant 0 : index
      %get3A_26 = tpu.vector_load %arg15[%get3A] {strides = array<i32>} : memref<128xi32, #tpu.memory_space<vmem>>, vector<16xi32>,
      %get3A_27 = arith.constant 0 : index
      %get3A_28 = tpu.vector_load %arg16[%get3A_27] {strides = array<i32>} : memref<128xi32, #tpu.memory_space<vmem>>, vector<16xi32>,
      %gather3A = tpu.vector_load_idx %arg12[%get3A_26] : memref<10000xf32, #tpu.memory_space<vmem>>[vector<16xi32>], vector<16xf32>,
      %gather3A_29 = tpu.vector_load_idx %arg12[%get3A_28] : memref<10000xf32, #tpu.memory_space<vmem>>[vector<16xi32>], vector<16xf32>,
      %sub3A = arith.subf %gather3A, %gather3A_29 : vector<16xf32>
      %gather3A_30 = tpu.vector_load_idx %arg13[%get3A_26] : memref<10000xf32, #tpu.memory_space<vmem>>[vector<16xi32>], vector<16xf32>,
      %gather3A_31 = tpu.vector_load_idx %arg13[%get3A_28] : memref<10000xf32, #tpu.memory_space<vmem>>[vector<16xi32>], vector<16xf32>,
      %sub3A_32 = arith.subf %gather3A_30, %gather3A_31 : vector<16xf32>
      %gather3A_33 = tpu.vector_load_idx %arg14[%get3A_26] : memref<10000xf32, #tpu.memory_space<vmem>>[vector<16xi32>], vector<16xf32>,
      %gather3A_34 = tpu.vector_load_idx %arg14[%get3A_28] : memref<10000xf32, #tpu.memory_space<vmem>>[vector<16xi32>], vector<16xf32>,
      %sub3A_35 = arith.subf %gather3A_33, %gather3A_34 : vector<16xf32>
      %mul3A_36 = arith.mulf %sub3A, %sub3A : vector<16xf32>
      %mul3A_37 = arith.mulf %sub3A_32, %sub3A_32 : vector<16xf32>
      %add3A_38 = arith.addf %mul3A_36, %mul3A_37 : vector<16xf32>
      %mul3A_39 = arith.mulf %sub3A_35, %sub3A_35 : vector<16xf32>
      %add3A_40 = arith.addf %add3A_38, %mul3A_39 : vector<16xf32>
      %swap3A = arith.constant 0 : index
      %swap3A_41 = tpu.vector_load %arg19[%swap3A] {strides = array<i32>} : memref<128xf32, #tpu.memory_space<vmem>>, vector<16xf32>,
      tpu.vector_store %arg19[%swap3A], %add3A_40 {strides = array<i32>} : memref<128xf32, #tpu.memory_space<vmem>>, vector<16xf32>,
      %get3A_42 = arith.constant 16 : index
      %get3A_43 = tpu.vector_load %arg15[%get3A_42] {strides = array<i32>} : memref<128xi32, #tpu.memory_space<vmem>>, vector<16xi32>,
      %get3A_44 = arith.constant 16 : index
      %get3A_45 = tpu.vector_load %arg16[%get3A_44] {strides = array<i32>} : memref<128xi32, #tpu.memory_space<vmem>>, vector<16xi32>,
      %gather3A_46 = tpu.vector_load_idx %arg12[%get3A_43] : memref<10000xf32, #tpu.memory_space<vmem>>[vector<16xi32>], vector<16xf32>,
      %gather3A_47 = tpu.vector_load_idx %arg12[%get3A_45] : memref<10000xf32, #tpu.memory_space<vmem>>[vector<16xi32>], vector<16xf32>,
      %sub3A_48 = arith.subf %gather3A_46, %gather3A_47 : vector<16xf32>
      %gather3A_49 = tpu.vector_load_idx %arg13[%get3A_43] : memref<10000xf32, #tpu.memory_space<vmem>>[vector<16xi32>], vector<16xf32>,
      %gather3A_50 = tpu.vector_load_idx %arg13[%get3A_45] : memref<10000xf32, #tpu.memory_space<vmem>>[vector<16xi32>], vector<16xf32>,
      %sub3A_51 = arith.subf %gather3A_49, %gather3A_50 : vector<16xf32>
      %gather3A_52 = tpu.vector_load_idx %arg14[%get3A_43] : memref<10000xf32, #tpu.memory_space<vmem>>[vector<16xi32>], vector<16xf32>,
      %gather3A_53 = tpu.vector_load_idx %arg14[%get3A_45] : memref<10000xf32, #tpu.memory_space<vmem>>[vector<16xi32>], vector<16xf32>,
      %sub3A_54 = arith.subf %gather3A_52, %gather3A_53 : vector<16xf32>
      %mul3A_55 = arith.mulf %sub3A_48, %sub3A_48 : vector<16xf32>
      %mul3A_56 = arith.mulf %sub3A_51, %sub3A_51 : vector<16xf32>
      %add3A_57 = arith.addf %mul3A_55, %mul3A_56 : vector<16xf32>
      %mul3A_58 = arith.mulf %sub3A_54, %sub3A_54 : vector<16xf32>
      %add3A_59 = arith.addf %add3A_57, %mul3A_58 : vector<16xf32>
      %swap3A_60 = arith.constant 16 : index
      %swap3A_61 = tpu.vector_load %arg19[%swap3A_60] {strides = array<i32>} : memref<128xf32, #tpu.memory_space<vmem>>, vector<16xf32>,
      tpu.vector_store %arg19[%swap3A_60], %add3A_59 {strides = array<i32>} : memref<128xf32, #tpu.memory_space<vmem>>, vector<16xf32>,
      %get3A_62 = arith.constant 32 : index
      %get3A_63 = tpu.vector_load %arg15[%get3A_62] {strides = array<i32>} : memref<128xi32, #tpu.memory_space<vmem>>, vector<16xi32>,
      %get3A_64 = arith.constant 32 : index
      %get3A_65 = tpu.vector_load %arg16[%get3A_64] {strides = array<i32>} : memref<128xi32, #tpu.memory_space<vmem>>, vector<16xi32>,
      %gather3A_66 = tpu.vector_load_idx %arg12[%get3A_63] : memref<10000xf32, #tpu.memory_space<vmem>>[vector<16xi32>], vector<16xf32>,
      %gather3A_67 = tpu.vector_load_idx %arg12[%get3A_65] : memref<10000xf32, #tpu.memory_space<vmem>>[vector<16xi32>], vector<16xf32>,
      %sub3A_68 = arith.subf %gather3A_66, %gather3A_67 : vector<16xf32>
      %gather3A_69 = tpu.vector_load_idx %arg13[%get3A_63] : memref<10000xf32, #tpu.memory_space<vmem>>[vector<16xi32>], vector<16xf32>,
      %gather3A_70 = tpu.vector_load_idx %arg13[%get3A_65] : memref<10000xf32, #tpu.memory_space<vmem>>[vector<16xi32>], vector<16xf32>,
      %sub3A_71 = arith.subf %gather3A_69, %gather3A_70 : vector<16xf32>
      %gather3A_72 = tpu.vector_load_idx %arg14[%get3A_63] : memref<10000xf32, #tpu.memory_space<vmem>>[vector<16xi32>], vector<16xf32>,
      %gather3A_73 = tpu.vector_load_idx %arg14[%get3A_65] : memref<10000xf32, #tpu.memory_space<vmem>>[vector<16xi32>], vector<16xf32>,
      %sub3A_74 = arith.subf %gather3A_72, %gather3A_73 : vector<16xf32>
      %mul3A_75 = arith.mulf %sub3A_68, %sub3A_68 : vector<16xf32>
      %mul3A_76 = arith.mulf %sub3A_71, %sub3A_71 : vector<16xf32>
      %add3A_77 = arith.addf %mul3A_75, %mul3A_76 : vector<16xf32>
      %mul3A_78 = arith.mulf %sub3A_74, %sub3A_74 : vector<16xf32>
      %add3A_79 = arith.addf %add3A_77, %mul3A_78 : vector<16xf32>
      %swap3A_80 = arith.constant 32 : index
      %swap3A_81 = tpu.vector_load %arg19[%swap3A_80] {strides = array<i32>} : memref<128xf32, #tpu.memory_space<vmem>>, vector<16xf32>,
      tpu.vector_store %arg19[%swap3A_80], %add3A_79 {strides = array<i32>} : memref<128xf32, #tpu.memory_space<vmem>>, vector<16xf32>,
      %get3A_82 = arith.constant 48 : index
      %get3A_83 = tpu.vector_load %arg15[%get3A_82] {strides = array<i32>} : memref<128xi32, #tpu.memory_space<vmem>>, vector<16xi32>,
      %get3A_84 = arith.constant 48 : index
      %get3A_85 = tpu.vector_load %arg16[%get3A_84] {strides = array<i32>} : memref<128xi32, #tpu.memory_space<vmem>>, vector<16xi32>,
      %gather3A_86 = tpu.vector_load_idx %arg12[%get3A_83] : memref<10000xf32, #tpu.memory_space<vmem>>[vector<16xi32>], vector<16xf32>,
      %gather3A_87 = tpu.vector_load_idx %arg12[%get3A_85] : memref<10000xf32, #tpu.memory_space<vmem>>[vector<16xi32>], vector<16xf32>,
      %sub3A_88 = arith.subf %gather3A_86, %gather3A_87 : vector<16xf32>
      %gather3A_89 = tpu.vector_load_idx %arg13[%get3A_83] : memref<10000xf32, #tpu.memory_space<vmem>>[vector<16xi32>], vector<16xf32>,
      %gather3A_90 = tpu.vector_load_idx %arg13[%get3A_85] : memref<10000xf32, #tpu.memory_space<vmem>>[vector<16xi32>], vector<16xf32>,
      %sub3A_91 = arith.subf %gather3A_89, %gather3A_90 : vector<16xf32>
      %gather3A_92 = tpu.vector_load_idx %arg14[%get3A_83] : memref<10000xf32, #tpu.memory_space<vmem>>[vector<16xi32>], vector<16xf32>,
      %gather3A_93 = tpu.vector_load_idx %arg14[%get3A_85] : memref<10000xf32, #tpu.memory_space<vmem>>[vector<16xi32>], vector<16xf32>,
      %sub3A_94 = arith.subf %gather3A_92, %gather3A_93 : vector<16xf32>
      %mul3A_95 = arith.mulf %sub3A_88, %sub3A_88 : vector<16xf32>
      %mul3A_96 = arith.mulf %sub3A_91, %sub3A_91 : vector<16xf32>
      %add3A_97 = arith.addf %mul3A_95, %mul3A_96 : vector<16xf32>
      %mul3A_98 = arith.mulf %sub3A_94, %sub3A_94 : vector<16xf32>
      %add3A_99 = arith.addf %add3A_97, %mul3A_98 : vector<16xf32>
      %swap3A_100 = arith.constant 48 : index
      %swap3A_101 = tpu.vector_load %arg19[%swap3A_100] {strides = array<i32>} : memref<128xf32, #tpu.memory_space<vmem>>, vector<16xf32>,
      tpu.vector_store %arg19[%swap3A_100], %add3A_99 {strides = array<i32>} : memref<128xf32, #tpu.memory_space<vmem>>, vector<16xf32>,
      %get3A_102 = arith.constant 64 : index
      %get3A_103 = tpu.vector_load %arg15[%get3A_102] {strides = array<i32>} : memref<128xi32, #tpu.memory_space<vmem>>, vector<16xi32>,
      %get3A_104 = arith.constant 64 : index
      %get3A_105 = tpu.vector_load %arg16[%get3A_104] {strides = array<i32>} : memref<128xi32, #tpu.memory_space<vmem>>, vector<16xi32>,
      %gather3A_106 = tpu.vector_load_idx %arg12[%get3A_103] : memref<10000xf32, #tpu.memory_space<vmem>>[vector<16xi32>], vector<16xf32>,
      %gather3A_107 = tpu.vector_load_idx %arg12[%get3A_105] : memref<10000xf32, #tpu.memory_space<vmem>>[vector<16xi32>], vector<16xf32>,
      %sub3A_108 = arith.subf %gather3A_106, %gather3A_107 : vector<16xf32>
      %gather3A_109 = tpu.vector_load_idx %arg13[%get3A_103] : memref<10000xf32, #tpu.memory_space<vmem>>[vector<16xi32>], vector<16xf32>,
      %gather3A_110 = tpu.vector_load_idx %arg13[%get3A_105] : memref<10000xf32, #tpu.memory_space<vmem>>[vector<16xi32>], vector<16xf32>,
      %sub3A_111 = arith.subf %gather3A_109, %gather3A_110 : vector<16xf32>
      %gather3A_112 = tpu.vector_load_idx %arg14[%get3A_103] : memref<10000xf32, #tpu.memory_space<vmem>>[vector<16xi32>], vector<16xf32>,
      %gather3A_113 = tpu.vector_load_idx %arg14[%get3A_105] : memref<10000xf32, #tpu.memory_space<vmem>>[vector<16xi32>], vector<16xf32>,
      %sub3A_114 = arith.subf %gather3A_112, %gather3A_113 : vector<16xf32>
      %mul3A_115 = arith.mulf %sub3A_108, %sub3A_108 : vector<16xf32>
      %mul3A_116 = arith.mulf %sub3A_111, %sub3A_111 : vector<16xf32>
      %add3A_117 = arith.addf %mul3A_115, %mul3A_116 : vector<16xf32>
      %mul3A_118 = arith.mulf %sub3A_114, %sub3A_114 : vector<16xf32>
      %add3A_119 = arith.addf %add3A_117, %mul3A_118 : vector<16xf32>
      %swap3A_120 = arith.constant 64 : index
      %swap3A_121 = tpu.vector_load %arg19[%swap3A_120] {strides = array<i32>} : memref<128xf32, #tpu.memory_space<vmem>>, vector<16xf32>,
      tpu.vector_store %arg19[%swap3A_120], %add3A_119 {strides = array<i32>} : memref<128xf32, #tpu.memory_space<vmem>>, vector<16xf32>,
      %get3A_122 = arith.constant 80 : index
      %get3A_123 = tpu.vector_load %arg15[%get3A_122] {strides = array<i32>} : memref<128xi32, #tpu.memory_space<vmem>>, vector<16xi32>,
      %get3A_124 = arith.constant 80 : index
      %get3A_125 = tpu.vector_load %arg16[%get3A_124] {strides = array<i32>} : memref<128xi32, #tpu.memory_space<vmem>>, vector<16xi32>,
      %gather3A_126 = tpu.vector_load_idx %arg12[%get3A_123] : memref<10000xf32, #tpu.memory_space<vmem>>[vector<16xi32>], vector<16xf32>,
      %gather3A_127 = tpu.vector_load_idx %arg12[%get3A_125] : memref<10000xf32, #tpu.memory_space<vmem>>[vector<16xi32>], vector<16xf32>,
      %sub3A_128 = arith.subf %gather3A_126, %gather3A_127 : vector<16xf32>
      %gather3A_129 = tpu.vector_load_idx %arg13[%get3A_123] : memref<10000xf32, #tpu.memory_space<vmem>>[vector<16xi32>], vector<16xf32>,
      %gather3A_130 = tpu.vector_load_idx %arg13[%get3A_125] : memref<10000xf32, #tpu.memory_space<vmem>>[vector<16xi32>], vector<16xf32>,
      %sub3A_131 = arith.subf %gather3A_129, %gather3A_130 : vector<16xf32>
      %gather3A_132 = tpu.vector_load_idx %arg14[%get3A_123] : memref<10000xf32, #tpu.memory_space<vmem>>[vector<16xi32>], vector<16xf32>,
      %gather3A_133 = tpu.vector_load_idx %arg14[%get3A_125] : memref<10000xf32, #tpu.memory_space<vmem>>[vector<16xi32>], vector<16xf32>,
      %sub3A_134 = arith.subf %gather3A_132, %gather3A_133 : vector<16xf32>
      %mul3A_135 = arith.mulf %sub3A_128, %sub3A_128 : vector<16xf32>
      %mul3A_136 = arith.mulf %sub3A_131, %sub3A_131 : vector<16xf32>
      %add3A_137 = arith.addf %mul3A_135, %mul3A_136 : vector<16xf32>
      %mul3A_138 = arith.mulf %sub3A_134, %sub3A_134 : vector<16xf32>
      %add3A_139 = arith.addf %add3A_137, %mul3A_138 : vector<16xf32>
      %swap3A_140 = arith.constant 80 : index
      %swap3A_141 = tpu.vector_load %arg19[%swap3A_140] {strides = array<i32>} : memref<128xf32, #tpu.memory_space<vmem>>, vector<16xf32>,
      tpu.vector_store %arg19[%swap3A_140], %add3A_139 {strides = array<i32>} : memref<128xf32, #tpu.memory_space<vmem>>, vector<16xf32>,
      %get3A_142 = arith.constant 96 : index
      %get3A_143 = tpu.vector_load %arg15[%get3A_142] {strides = array<i32>} : memref<128xi32, #tpu.memory_space<vmem>>, vector<16xi32>,
      %get3A_144 = arith.constant 96 : index
      %get3A_145 = tpu.vector_load %arg16[%get3A_144] {strides = array<i32>} : memref<128xi32, #tpu.memory_space<vmem>>, vector<16xi32>,
      %gather3A_146 = tpu.vector_load_idx %arg12[%get3A_143] : memref<10000xf32, #tpu.memory_space<vmem>>[vector<16xi32>], vector<16xf32>,
      %gather3A_147 = tpu.vector_load_idx %arg12[%get3A_145] : memref<10000xf32, #tpu.memory_space<vmem>>[vector<16xi32>], vector<16xf32>,
      %sub3A_148 = arith.subf %gather3A_146, %gather3A_147 : vector<16xf32>
      %gather3A_149 = tpu.vector_load_idx %arg13[%get3A_143] : memref<10000xf32, #tpu.memory_space<vmem>>[vector<16xi32>], vector<16xf32>,
      %gather3A_150 = tpu.vector_load_idx %arg13[%get3A_145] : memref<10000xf32, #tpu.memory_space<vmem>>[vector<16xi32>], vector<16xf32>,
      %sub3A_151 = arith.subf %gather3A_149, %gather3A_150 : vector<16xf32>
      %gather3A_152 = tpu.vector_load_idx %arg14[%get3A_143] : memref<10000xf32, #tpu.memory_space<vmem>>[vector<16xi32>], vector<16xf32>,
      %gather3A_153 = tpu.vector_load_idx %arg14[%get3A_145] : memref<10000xf32, #tpu.memory_space<vmem>>[vector<16xi32>], vector<16xf32>,
      %sub3A_154 = arith.subf %gather3A_152, %gather3A_153 : vector<16xf32>
      %mul3A_155 = arith.mulf %sub3A_148, %sub3A_148 : vector<16xf32>
      %mul3A_156 = arith.mulf %sub3A_151, %sub3A_151 : vector<16xf32>
      %add3A_157 = arith.addf %mul3A_155, %mul3A_156 : vector<16xf32>
      %mul3A_158 = arith.mulf %sub3A_154, %sub3A_154 : vector<16xf32>
      %add3A_159 = arith.addf %add3A_157, %mul3A_158 : vector<16xf32>
      %swap3A_160 = arith.constant 96 : index
      %swap3A_161 = tpu.vector_load %arg19[%swap3A_160] {strides = array<i32>} : memref<128xf32, #tpu.memory_space<vmem>>, vector<16xf32>,
      tpu.vector_store %arg19[%swap3A_160], %add3A_159 {strides = array<i32>} : memref<128xf32, #tpu.memory_space<vmem>>, vector<16xf32>,
      %get3A_162 = arith.constant 112 : index
      %get3A_163 = tpu.vector_load %arg15[%get3A_162] {strides = array<i32>} : memref<128xi32, #tpu.memory_space<vmem>>, vector<16xi32>,
      %get3A_164 = arith.constant 112 : index
      %get3A_165 = tpu.vector_load %arg16[%get3A_164] {strides = array<i32>} : memref<128xi32, #tpu.memory_space<vmem>>, vector<16xi32>,
      %gather3A_166 = tpu.vector_load_idx %arg12[%get3A_163] : memref<10000xf32, #tpu.memory_space<vmem>>[vector<16xi32>], vector<16xf32>,
      %gather3A_167 = tpu.vector_load_idx %arg12[%get3A_165] : memref<10000xf32, #tpu.memory_space<vmem>>[vector<16xi32>], vector<16xf32>,
      %sub3A_168 = arith.subf %gather3A_166, %gather3A_167 : vector<16xf32>
      %gather3A_169 = tpu.vector_load_idx %arg13[%get3A_163] : memref<10000xf32, #tpu.memory_space<vmem>>[vector<16xi32>], vector<16xf32>,
      %gather3A_170 = tpu.vector_load_idx %arg13[%get3A_165] : memref<10000xf32, #tpu.memory_space<vmem>>[vector<16xi32>], vector<16xf32>,
      %sub3A_171 = arith.subf %gather3A_169, %gather3A_170 : vector<16xf32>
      %gather3A_172 = tpu.vector_load_idx %arg14[%get3A_163] : memref<10000xf32, #tpu.memory_space<vmem>>[vector<16xi32>], vector<16xf32>,
      %gather3A_173 = tpu.vector_load_idx %arg14[%get3A_165] : memref<10000xf32, #tpu.memory_space<vmem>>[vector<16xi32>], vector<16xf32>,
      %sub3A_174 = arith.subf %gather3A_172, %gather3A_173 : vector<16xf32>
      %mul3A_175 = arith.mulf %sub3A_168, %sub3A_168 : vector<16xf32>
      %mul3A_176 = arith.mulf %sub3A_171, %sub3A_171 : vector<16xf32>
      %add3A_177 = arith.addf %mul3A_175, %mul3A_176 : vector<16xf32>
      %mul3A_178 = arith.mulf %sub3A_174, %sub3A_174 : vector<16xf32>
      %add3A_179 = arith.addf %add3A_177, %mul3A_178 : vector<16xf32>
      %swap3A_180 = arith.constant 112 : index
      %swap3A_181 = tpu.vector_load %arg19[%swap3A_180] {strides = array<i32>} : memref<128xf32, #tpu.memory_space<vmem>>, vector<16xf32>,
      tpu.vector_store %arg19[%swap3A_180], %add3A_179 {strides = array<i32>} : memref<128xf32, #tpu.memory_space<vmem>>, vector<16xf32>,
      "tpu.region"() ({
        %run_scoped3A = tpu.sem_alloc : memref<!tpu.dma_semaphore, #tpu.memory_space<semaphore_mem>>
        %dma_start3A_187 = tpu.memref_slice %arg11[%mul3A_20] : memref<320000xf32, #tpu.memory_space<hbm>> -> memref<128xf32, #tpu.memory_space<hbm>>
        %dma_start3A_188 = tpu.memref_slice %arg11[%mul3A_20] : memref<320000xf32, #tpu.memory_space<hbm>> -> memref<128xf32, #tpu.memory_space<hbm>>
        tpu.enqueue_dma source(%arg19 : memref<128xf32, #tpu.memory_space<vmem>>) target(%dma_start3A_188 : memref<128xf32, #tpu.memory_space<hbm>>) target_semaphore(%run_scoped3A : memref<!tpu.dma_semaphore, #tpu.memory_space<semaphore_mem>>)
        %dma_wait3A_189 = tpu.memref_slice %arg11[%mul3A_20] : memref<320000xf32, #tpu.memory_space<hbm>> -> memref<128xf32, #tpu.memory_space<hbm>>
        %dma_wait3A_190 = tpu.memref_slice %arg11[%mul3A_20] : memref<320000xf32, #tpu.memory_space<hbm>> -> memref<128xf32, #tpu.memory_space<hbm>>
        tpu.wait_dma2 semaphore(%run_scoped3A : memref<!tpu.dma_semaphore, #tpu.memory_space<semaphore_mem>>) src(%arg19 : memref<128xf32, #tpu.memory_space<vmem>>) dst(%dma_wait3A_190 : memref<128xf32, #tpu.memory_space<hbm>>)
        tpu.yield
      }) : () -> ()
      %dma_wait3A = arith.constant 0 : i32
      %dma_wait3A_182 = arith.constant 0 : i32
      %dma_wait3A_183 = tpu.memref_slice %arg2[%dma_wait3A, %dma_wait3A_182] : memref<10000x128xf32, #tpu.memory_space<hbm>> -> memref<10000x128xf32, #tpu.memory_space<hbm>>
      tpu.wait_indirect_dma semaphore(%arg20 : memref<!tpu.dma_semaphore, #tpu.memory_space<semaphore_mem>>) src(%dma_wait3A_183 : memref<10000x128xf32, #tpu.memory_space<hbm>>) dst(%arg17 : memref<128x128xf32, #tpu.memory_space<vmem>>)
      %dma_wait3A_184 = arith.constant 0 : i32
      %dma_wait3A_185 = arith.constant 0 : i32
      %dma_wait3A_186 = tpu.memref_slice %arg3[%dma_wait3A_184, %dma_wait3A_185] : memref<10000x128xf32, #tpu.memory_space<hbm>> -> memref<10000x128xf32, #tpu.memory_space<hbm>>
      tpu.wait_indirect_dma semaphore(%arg21 : memref<!tpu.dma_semaphore, #tpu.memory_space<semaphore_mem>>) src(%dma_wait3A_186 : memref<10000x128xf32, #tpu.memory_space<hbm>>) dst(%arg18 : memref<128x128xf32, #tpu.memory_space<vmem>>)
      "tpu.region"() ({
        %run_scoped3A = tpu.sem_alloc : memref<!tpu.dma_semaphore, #tpu.memory_space<semaphore_mem>>
        %dma_start3A_187 = arith.constant 0 : i32
        %dma_start3A_188 = tpu.memref_slice %arg9[%mul3A_20, %dma_start3A_187] : memref<320000x128xf32, #tpu.memory_space<hbm>> -> memref<128x128xf32, #tpu.memory_space<hbm>>
        %dma_start3A_189 = arith.constant 0 : i32
        %dma_start3A_190 = tpu.memref_slice %arg9[%mul3A_20, %dma_start3A_189] : memref<320000x128xf32, #tpu.memory_space<hbm>> -> memref<128x128xf32, #tpu.memory_space<hbm>>
        tpu.enqueue_dma source(%arg17 : memref<128x128xf32, #tpu.memory_space<vmem>>) target(%dma_start3A_190 : memref<128x128xf32, #tpu.memory_space<hbm>>) target_semaphore(%run_scoped3A : memref<!tpu.dma_semaphore, #tpu.memory_space<semaphore_mem>>)
        %dma_wait3A_191 = arith.constant 0 : i32
        %dma_wait3A_192 = tpu.memref_slice %arg9[%mul3A_20, %dma_wait3A_191] : memref<320000x128xf32, #tpu.memory_space<hbm>> -> memref<128x128xf32, #tpu.memory_space<hbm>>
        %dma_wait3A_193 = arith.constant 0 : i32
        %dma_wait3A_194 = tpu.memref_slice %arg9[%mul3A_20, %dma_wait3A_193] : memref<320000x128xf32, #tpu.memory_space<hbm>> -> memref<128x128xf32, #tpu.memory_space<hbm>>
        tpu.wait_dma2 semaphore(%run_scoped3A : memref<!tpu.dma_semaphore, #tpu.memory_space<semaphore_mem>>) src(%arg17 : memref<128x128xf32, #tpu.memory_space<vmem>>) dst(%dma_wait3A_194 : memref<128x128xf32, #tpu.memory_space<hbm>>)
        tpu.yield
      }) : () -> ()
      "tpu.region"() ({
        %run_scoped3A = tpu.sem_alloc : memref<!tpu.dma_semaphore, #tpu.memory_space<semaphore_mem>>
        %dma_start3A_187 = arith.constant 0 : i32
        %dma_start3A_188 = tpu.memref_slice %arg10[%mul3A_20, %dma_start3A_187] : memref<320000x128xf32, #tpu.memory_space<hbm>> -> memref<128x128xf32, #tpu.memory_space<hbm>>
        %dma_start3A_189 = arith.constant 0 : i32
        %dma_start3A_190 = tpu.memref_slice %arg10[%mul3A_20, %dma_start3A_189] : memref<320000x128xf32, #tpu.memory_space<hbm>> -> memref<128x128xf32, #tpu.memory_space<hbm>>
        tpu.enqueue_dma source(%arg18 : memref<128x128xf32, #tpu.memory_space<vmem>>) target(%dma_start3A_190 : memref<128x128xf32, #tpu.memory_space<hbm>>) target_semaphore(%run_scoped3A : memref<!tpu.dma_semaphore, #tpu.memory_space<semaphore_mem>>)
        %dma_wait3A_191 = arith.constant 0 : i32
        %dma_wait3A_192 = tpu.memref_slice %arg10[%mul3A_20, %dma_wait3A_191] : memref<320000x128xf32, #tpu.memory_space<hbm>> -> memref<128x128xf32, #tpu.memory_space<hbm>>
        %dma_wait3A_193 = arith.constant 0 : i32
        %dma_wait3A_194 = tpu.memref_slice %arg10[%mul3A_20, %dma_wait3A_193] : memref<320000x128xf32, #tpu.memory_space<hbm>> -> memref<128x128xf32, #tpu.memory_space<hbm>>
        tpu.wait_dma2 semaphore(%run_scoped3A : memref<!tpu.dma_semaphore, #tpu.memory_space<semaphore_mem>>) src(%arg18 : memref<128x128xf32, #tpu.memory_space<vmem>>) dst(%dma_wait3A_194 : memref<128x128xf32, #tpu.memory_space<hbm>>)
        tpu.yield
      }) : () -> ()
    }
    %while3A_16 = arith.constant 1 : i32
    scf.for %while3A_17 = %while3A_14 to %while3A_10 step %while3A_16  : i32 {
      %add3A_18 = arith.addi %add3A_4, %while3A_17 : i32
      %mul3A_19 = arith.constant 128 : i32
      %mul3A_20 = arith.muli %add3A_18, %mul3A_19 : i32
      "tpu.region"() ({
        %run_scoped3A = tpu.sem_alloc : memref<!tpu.dma_semaphore, #tpu.memory_space<semaphore_mem>>
        %dma_start3A_187 = tpu.memref_slice %arg4[%mul3A_20] : memref<320000xi32, #tpu.memory_space<hbm>> -> memref<128xi32, #tpu.memory_space<hbm>>
        %dma_start3A_188 = tpu.memref_slice %arg4[%mul3A_20] : memref<320000xi32, #tpu.memory_space<hbm>> -> memref<128xi32, #tpu.memory_space<hbm>>
        tpu.enqueue_dma source(%dma_start3A_188 : memref<128xi32, #tpu.memory_space<hbm>>) target(%arg15 : memref<128xi32, #tpu.memory_space<vmem>>) target_semaphore(%run_scoped3A : memref<!tpu.dma_semaphore, #tpu.memory_space<semaphore_mem>>)
        %dma_wait3A_189 = tpu.memref_slice %arg4[%mul3A_20] : memref<320000xi32, #tpu.memory_space<hbm>> -> memref<128xi32, #tpu.memory_space<hbm>>
        %dma_wait3A_190 = tpu.memref_slice %arg4[%mul3A_20] : memref<320000xi32, #tpu.memory_space<hbm>> -> memref<128xi32, #tpu.memory_space<hbm>>
        tpu.wait_dma2 semaphore(%run_scoped3A : memref<!tpu.dma_semaphore, #tpu.memory_space<semaphore_mem>>) src(%dma_wait3A_190 : memref<128xi32, #tpu.memory_space<hbm>>) dst(%arg15 : memref<128xi32, #tpu.memory_space<vmem>>)
        tpu.yield
      }) : () -> ()
      "tpu.region"() ({
        %run_scoped3A = tpu.sem_alloc : memref<!tpu.dma_semaphore, #tpu.memory_space<semaphore_mem>>
        %dma_start3A_187 = tpu.memref_slice %arg5[%mul3A_20] : memref<320000xi32, #tpu.memory_space<hbm>> -> memref<128xi32, #tpu.memory_space<hbm>>
        %dma_start3A_188 = tpu.memref_slice %arg5[%mul3A_20] : memref<320000xi32, #tpu.memory_space<hbm>> -> memref<128xi32, #tpu.memory_space<hbm>>
        tpu.enqueue_dma source(%dma_start3A_188 : memref<128xi32, #tpu.memory_space<hbm>>) target(%arg16 : memref<128xi32, #tpu.memory_space<vmem>>) target_semaphore(%run_scoped3A : memref<!tpu.dma_semaphore, #tpu.memory_space<semaphore_mem>>)
        %dma_wait3A_189 = tpu.memref_slice %arg5[%mul3A_20] : memref<320000xi32, #tpu.memory_space<hbm>> -> memref<128xi32, #tpu.memory_space<hbm>>
        %dma_wait3A_190 = tpu.memref_slice %arg5[%mul3A_20] : memref<320000xi32, #tpu.memory_space<hbm>> -> memref<128xi32, #tpu.memory_space<hbm>>
        tpu.wait_dma2 semaphore(%run_scoped3A : memref<!tpu.dma_semaphore, #tpu.memory_space<semaphore_mem>>) src(%dma_wait3A_190 : memref<128xi32, #tpu.memory_space<hbm>>) dst(%arg16 : memref<128xi32, #tpu.memory_space<vmem>>)
        tpu.yield
      }) : () -> ()
      %dma_start3A = arith.constant 0 : i32
      %dma_start3A_21 = arith.constant 0 : i32
      %dma_start3A_22 = tpu.memref_slice %arg2[%dma_start3A, %dma_start3A_21] : memref<10000x128xf32, #tpu.memory_space<hbm>> -> memref<10000x128xf32, #tpu.memory_space<hbm>>
      tpu.enqueue_indirect_dma source(%dma_start3A_22 : memref<10000x128xf32, #tpu.memory_space<hbm>>) target(%arg17 : memref<128x128xf32, #tpu.memory_space<vmem>>) offsets(%arg15 : memref<128xi32, #tpu.memory_space<vmem>>) semaphore(%arg20 : memref<!tpu.dma_semaphore, #tpu.memory_space<semaphore_mem>>)
      %dma_start3A_23 = arith.constant 0 : i32
      %dma_start3A_24 = arith.constant 0 : i32
      %dma_start3A_25 = tpu.memref_slice %arg3[%dma_start3A_23, %dma_start3A_24] : memref<10000x128xf32, #tpu.memory_space<hbm>> -> memref<10000x128xf32, #tpu.memory_space<hbm>>
      tpu.enqueue_indirect_dma source(%dma_start3A_25 : memref<10000x128xf32, #tpu.memory_space<hbm>>) target(%arg18 : memref<128x128xf32, #tpu.memory_space<vmem>>) offsets(%arg16 : memref<128xi32, #tpu.memory_space<vmem>>) semaphore(%arg21 : memref<!tpu.dma_semaphore, #tpu.memory_space<semaphore_mem>>)
      %get3A = arith.constant 0 : index
      %get3A_26 = tpu.vector_load %arg15[%get3A] {strides = array<i32>} : memref<128xi32, #tpu.memory_space<vmem>>, vector<16xi32>,
      %get3A_27 = arith.constant 0 : index
      %get3A_28 = tpu.vector_load %arg16[%get3A_27] {strides = array<i32>} : memref<128xi32, #tpu.memory_space<vmem>>, vector<16xi32>,
      %gather3A = tpu.vector_load_idx %arg12[%get3A_26] : memref<10000xf32, #tpu.memory_space<vmem>>[vector<16xi32>], vector<16xf32>,
      %gather3A_29 = tpu.vector_load_idx %arg12[%get3A_28] : memref<10000xf32, #tpu.memory_space<vmem>>[vector<16xi32>], vector<16xf32>,
      %sub3A = arith.subf %gather3A, %gather3A_29 : vector<16xf32>
      %gather3A_30 = tpu.vector_load_idx %arg13[%get3A_26] : memref<10000xf32, #tpu.memory_space<vmem>>[vector<16xi32>], vector<16xf32>,
      %gather3A_31 = tpu.vector_load_idx %arg13[%get3A_28] : memref<10000xf32, #tpu.memory_space<vmem>>[vector<16xi32>], vector<16xf32>,
      %sub3A_32 = arith.subf %gather3A_30, %gather3A_31 : vector<16xf32>
      %gather3A_33 = tpu.vector_load_idx %arg14[%get3A_26] : memref<10000xf32, #tpu.memory_space<vmem>>[vector<16xi32>], vector<16xf32>,
      %gather3A_34 = tpu.vector_load_idx %arg14[%get3A_28] : memref<10000xf32, #tpu.memory_space<vmem>>[vector<16xi32>], vector<16xf32>,
      %sub3A_35 = arith.subf %gather3A_33, %gather3A_34 : vector<16xf32>
      %mul3A_36 = arith.mulf %sub3A, %sub3A : vector<16xf32>
      %mul3A_37 = arith.mulf %sub3A_32, %sub3A_32 : vector<16xf32>
      %add3A_38 = arith.addf %mul3A_36, %mul3A_37 : vector<16xf32>
      %mul3A_39 = arith.mulf %sub3A_35, %sub3A_35 : vector<16xf32>
      %add3A_40 = arith.addf %add3A_38, %mul3A_39 : vector<16xf32>
      %swap3A = arith.constant 0 : index
      %swap3A_41 = tpu.vector_load %arg19[%swap3A] {strides = array<i32>} : memref<128xf32, #tpu.memory_space<vmem>>, vector<16xf32>,
      tpu.vector_store %arg19[%swap3A], %add3A_40 {strides = array<i32>} : memref<128xf32, #tpu.memory_space<vmem>>, vector<16xf32>,
      %get3A_42 = arith.constant 16 : index
      %get3A_43 = tpu.vector_load %arg15[%get3A_42] {strides = array<i32>} : memref<128xi32, #tpu.memory_space<vmem>>, vector<16xi32>,
      %get3A_44 = arith.constant 16 : index
      %get3A_45 = tpu.vector_load %arg16[%get3A_44] {strides = array<i32>} : memref<128xi32, #tpu.memory_space<vmem>>, vector<16xi32>,
      %gather3A_46 = tpu.vector_load_idx %arg12[%get3A_43] : memref<10000xf32, #tpu.memory_space<vmem>>[vector<16xi32>], vector<16xf32>,
      %gather3A_47 = tpu.vector_load_idx %arg12[%get3A_45] : memref<10000xf32, #tpu.memory_space<vmem>>[vector<16xi32>], vector<16xf32>,
      %sub3A_48 = arith.subf %gather3A_46, %gather3A_47 : vector<16xf32>
      %gather3A_49 = tpu.vector_load_idx %arg13[%get3A_43] : memref<10000xf32, #tpu.memory_space<vmem>>[vector<16xi32>], vector<16xf32>,
      %gather3A_50 = tpu.vector_load_idx %arg13[%get3A_45] : memref<10000xf32, #tpu.memory_space<vmem>>[vector<16xi32>], vector<16xf32>,
      %sub3A_51 = arith.subf %gather3A_49, %gather3A_50 : vector<16xf32>
      %gather3A_52 = tpu.vector_load_idx %arg14[%get3A_43] : memref<10000xf32, #tpu.memory_space<vmem>>[vector<16xi32>], vector<16xf32>,
      %gather3A_53 = tpu.vector_load_idx %arg14[%get3A_45] : memref<10000xf32, #tpu.memory_space<vmem>>[vector<16xi32>], vector<16xf32>,
      %sub3A_54 = arith.subf %gather3A_52, %gather3A_53 : vector<16xf32>
      %mul3A_55 = arith.mulf %sub3A_48, %sub3A_48 : vector<16xf32>
      %mul3A_56 = arith.mulf %sub3A_51, %sub3A_51 : vector<16xf32>
      %add3A_57 = arith.addf %mul3A_55, %mul3A_56 : vector<16xf32>
      %mul3A_58 = arith.mulf %sub3A_54, %sub3A_54 : vector<16xf32>
      %add3A_59 = arith.addf %add3A_57, %mul3A_58 : vector<16xf32>
      %swap3A_60 = arith.constant 16 : index
      %swap3A_61 = tpu.vector_load %arg19[%swap3A_60] {strides = array<i32>} : memref<128xf32, #tpu.memory_space<vmem>>, vector<16xf32>,
      tpu.vector_store %arg19[%swap3A_60], %add3A_59 {strides = array<i32>} : memref<128xf32, #tpu.memory_space<vmem>>, vector<16xf32>,
      %get3A_62 = arith.constant 32 : index
      %get3A_63 = tpu.vector_load %arg15[%get3A_62] {strides = array<i32>} : memref<128xi32, #tpu.memory_space<vmem>>, vector<16xi32>,
      %get3A_64 = arith.constant 32 : index
      %get3A_65 = tpu.vector_load %arg16[%get3A_64] {strides = array<i32>} : memref<128xi32, #tpu.memory_space<vmem>>, vector<16xi32>,
      %gather3A_66 = tpu.vector_load_idx %arg12[%get3A_63] : memref<10000xf32, #tpu.memory_space<vmem>>[vector<16xi32>], vector<16xf32>,
      %gather3A_67 = tpu.vector_load_idx %arg12[%get3A_65] : memref<10000xf32, #tpu.memory_space<vmem>>[vector<16xi32>], vector<16xf32>,
      %sub3A_68 = arith.subf %gather3A_66, %gather3A_67 : vector<16xf32>
      %gather3A_69 = tpu.vector_load_idx %arg13[%get3A_63] : memref<10000xf32, #tpu.memory_space<vmem>>[vector<16xi32>], vector<16xf32>,
      %gather3A_70 = tpu.vector_load_idx %arg13[%get3A_65] : memref<10000xf32, #tpu.memory_space<vmem>>[vector<16xi32>], vector<16xf32>,
      %sub3A_71 = arith.subf %gather3A_69, %gather3A_70 : vector<16xf32>
      %gather3A_72 = tpu.vector_load_idx %arg14[%get3A_63] : memref<10000xf32, #tpu.memory_space<vmem>>[vector<16xi32>], vector<16xf32>,
      %gather3A_73 = tpu.vector_load_idx %arg14[%get3A_65] : memref<10000xf32, #tpu.memory_space<vmem>>[vector<16xi32>], vector<16xf32>,
      %sub3A_74 = arith.subf %gather3A_72, %gather3A_73 : vector<16xf32>
      %mul3A_75 = arith.mulf %sub3A_68, %sub3A_68 : vector<16xf32>
      %mul3A_76 = arith.mulf %sub3A_71, %sub3A_71 : vector<16xf32>
      %add3A_77 = arith.addf %mul3A_75, %mul3A_76 : vector<16xf32>
      %mul3A_78 = arith.mulf %sub3A_74, %sub3A_74 : vector<16xf32>
      %add3A_79 = arith.addf %add3A_77, %mul3A_78 : vector<16xf32>
      %swap3A_80 = arith.constant 32 : index
      %swap3A_81 = tpu.vector_load %arg19[%swap3A_80] {strides = array<i32>} : memref<128xf32, #tpu.memory_space<vmem>>, vector<16xf32>,
      tpu.vector_store %arg19[%swap3A_80], %add3A_79 {strides = array<i32>} : memref<128xf32, #tpu.memory_space<vmem>>, vector<16xf32>,
      %get3A_82 = arith.constant 48 : index
      %get3A_83 = tpu.vector_load %arg15[%get3A_82] {strides = array<i32>} : memref<128xi32, #tpu.memory_space<vmem>>, vector<16xi32>,
      %get3A_84 = arith.constant 48 : index
      %get3A_85 = tpu.vector_load %arg16[%get3A_84] {strides = array<i32>} : memref<128xi32, #tpu.memory_space<vmem>>, vector<16xi32>,
      %gather3A_86 = tpu.vector_load_idx %arg12[%get3A_83] : memref<10000xf32, #tpu.memory_space<vmem>>[vector<16xi32>], vector<16xf32>,
      %gather3A_87 = tpu.vector_load_idx %arg12[%get3A_85] : memref<10000xf32, #tpu.memory_space<vmem>>[vector<16xi32>], vector<16xf32>,
      %sub3A_88 = arith.subf %gather3A_86, %gather3A_87 : vector<16xf32>
      %gather3A_89 = tpu.vector_load_idx %arg13[%get3A_83] : memref<10000xf32, #tpu.memory_space<vmem>>[vector<16xi32>], vector<16xf32>,
      %gather3A_90 = tpu.vector_load_idx %arg13[%get3A_85] : memref<10000xf32, #tpu.memory_space<vmem>>[vector<16xi32>], vector<16xf32>,
      %sub3A_91 = arith.subf %gather3A_89, %gather3A_90 : vector<16xf32>
      %gather3A_92 = tpu.vector_load_idx %arg14[%get3A_83] : memref<10000xf32, #tpu.memory_space<vmem>>[vector<16xi32>], vector<16xf32>,
      %gather3A_93 = tpu.vector_load_idx %arg14[%get3A_85] : memref<10000xf32, #tpu.memory_space<vmem>>[vector<16xi32>], vector<16xf32>,
      %sub3A_94 = arith.subf %gather3A_92, %gather3A_93 : vector<16xf32>
      %mul3A_95 = arith.mulf %sub3A_88, %sub3A_88 : vector<16xf32>
      %mul3A_96 = arith.mulf %sub3A_91, %sub3A_91 : vector<16xf32>
      %add3A_97 = arith.addf %mul3A_95, %mul3A_96 : vector<16xf32>
      %mul3A_98 = arith.mulf %sub3A_94, %sub3A_94 : vector<16xf32>
      %add3A_99 = arith.addf %add3A_97, %mul3A_98 : vector<16xf32>
      %swap3A_100 = arith.constant 48 : index
      %swap3A_101 = tpu.vector_load %arg19[%swap3A_100] {strides = array<i32>} : memref<128xf32, #tpu.memory_space<vmem>>, vector<16xf32>,
      tpu.vector_store %arg19[%swap3A_100], %add3A_99 {strides = array<i32>} : memref<128xf32, #tpu.memory_space<vmem>>, vector<16xf32>,
      %get3A_102 = arith.constant 64 : index
      %get3A_103 = tpu.vector_load %arg15[%get3A_102] {strides = array<i32>} : memref<128xi32, #tpu.memory_space<vmem>>, vector<16xi32>,
      %get3A_104 = arith.constant 64 : index
      %get3A_105 = tpu.vector_load %arg16[%get3A_104] {strides = array<i32>} : memref<128xi32, #tpu.memory_space<vmem>>, vector<16xi32>,
      %gather3A_106 = tpu.vector_load_idx %arg12[%get3A_103] : memref<10000xf32, #tpu.memory_space<vmem>>[vector<16xi32>], vector<16xf32>,
      %gather3A_107 = tpu.vector_load_idx %arg12[%get3A_105] : memref<10000xf32, #tpu.memory_space<vmem>>[vector<16xi32>], vector<16xf32>,
      %sub3A_108 = arith.subf %gather3A_106, %gather3A_107 : vector<16xf32>
      %gather3A_109 = tpu.vector_load_idx %arg13[%get3A_103] : memref<10000xf32, #tpu.memory_space<vmem>>[vector<16xi32>], vector<16xf32>,
      %gather3A_110 = tpu.vector_load_idx %arg13[%get3A_105] : memref<10000xf32, #tpu.memory_space<vmem>>[vector<16xi32>], vector<16xf32>,
      %sub3A_111 = arith.subf %gather3A_109, %gather3A_110 : vector<16xf32>
      %gather3A_112 = tpu.vector_load_idx %arg14[%get3A_103] : memref<10000xf32, #tpu.memory_space<vmem>>[vector<16xi32>], vector<16xf32>,
      %gather3A_113 = tpu.vector_load_idx %arg14[%get3A_105] : memref<10000xf32, #tpu.memory_space<vmem>>[vector<16xi32>], vector<16xf32>,
      %sub3A_114 = arith.subf %gather3A_112, %gather3A_113 : vector<16xf32>
      %mul3A_115 = arith.mulf %sub3A_108, %sub3A_108 : vector<16xf32>
      %mul3A_116 = arith.mulf %sub3A_111, %sub3A_111 : vector<16xf32>
      %add3A_117 = arith.addf %mul3A_115, %mul3A_116 : vector<16xf32>
      %mul3A_118 = arith.mulf %sub3A_114, %sub3A_114 : vector<16xf32>
      %add3A_119 = arith.addf %add3A_117, %mul3A_118 : vector<16xf32>
      %swap3A_120 = arith.constant 64 : index
      %swap3A_121 = tpu.vector_load %arg19[%swap3A_120] {strides = array<i32>} : memref<128xf32, #tpu.memory_space<vmem>>, vector<16xf32>,
      tpu.vector_store %arg19[%swap3A_120], %add3A_119 {strides = array<i32>} : memref<128xf32, #tpu.memory_space<vmem>>, vector<16xf32>,
      %get3A_122 = arith.constant 80 : index
      %get3A_123 = tpu.vector_load %arg15[%get3A_122] {strides = array<i32>} : memref<128xi32, #tpu.memory_space<vmem>>, vector<16xi32>,
      %get3A_124 = arith.constant 80 : index
      %get3A_125 = tpu.vector_load %arg16[%get3A_124] {strides = array<i32>} : memref<128xi32, #tpu.memory_space<vmem>>, vector<16xi32>,
      %gather3A_126 = tpu.vector_load_idx %arg12[%get3A_123] : memref<10000xf32, #tpu.memory_space<vmem>>[vector<16xi32>], vector<16xf32>,
      %gather3A_127 = tpu.vector_load_idx %arg12[%get3A_125] : memref<10000xf32, #tpu.memory_space<vmem>>[vector<16xi32>], vector<16xf32>,
      %sub3A_128 = arith.subf %gather3A_126, %gather3A_127 : vector<16xf32>
      %gather3A_129 = tpu.vector_load_idx %arg13[%get3A_123] : memref<10000xf32, #tpu.memory_space<vmem>>[vector<16xi32>], vector<16xf32>,
      %gather3A_130 = tpu.vector_load_idx %arg13[%get3A_125] : memref<10000xf32, #tpu.memory_space<vmem>>[vector<16xi32>], vector<16xf32>,
      %sub3A_131 = arith.subf %gather3A_129, %gather3A_130 : vector<16xf32>
      %gather3A_132 = tpu.vector_load_idx %arg14[%get3A_123] : memref<10000xf32, #tpu.memory_space<vmem>>[vector<16xi32>], vector<16xf32>,
      %gather3A_133 = tpu.vector_load_idx %arg14[%get3A_125] : memref<10000xf32, #tpu.memory_space<vmem>>[vector<16xi32>], vector<16xf32>,
      %sub3A_134 = arith.subf %gather3A_132, %gather3A_133 : vector<16xf32>
      %mul3A_135 = arith.mulf %sub3A_128, %sub3A_128 : vector<16xf32>
      %mul3A_136 = arith.mulf %sub3A_131, %sub3A_131 : vector<16xf32>
      %add3A_137 = arith.addf %mul3A_135, %mul3A_136 : vector<16xf32>
      %mul3A_138 = arith.mulf %sub3A_134, %sub3A_134 : vector<16xf32>
      %add3A_139 = arith.addf %add3A_137, %mul3A_138 : vector<16xf32>
      %swap3A_140 = arith.constant 80 : index
      %swap3A_141 = tpu.vector_load %arg19[%swap3A_140] {strides = array<i32>} : memref<128xf32, #tpu.memory_space<vmem>>, vector<16xf32>,
      tpu.vector_store %arg19[%swap3A_140], %add3A_139 {strides = array<i32>} : memref<128xf32, #tpu.memory_space<vmem>>, vector<16xf32>,
      %get3A_142 = arith.constant 96 : index
      %get3A_143 = tpu.vector_load %arg15[%get3A_142] {strides = array<i32>} : memref<128xi32, #tpu.memory_space<vmem>>, vector<16xi32>,
      %get3A_144 = arith.constant 96 : index
      %get3A_145 = tpu.vector_load %arg16[%get3A_144] {strides = array<i32>} : memref<128xi32, #tpu.memory_space<vmem>>, vector<16xi32>,
      %gather3A_146 = tpu.vector_load_idx %arg12[%get3A_143] : memref<10000xf32, #tpu.memory_space<vmem>>[vector<16xi32>], vector<16xf32>,
      %gather3A_147 = tpu.vector_load_idx %arg12[%get3A_145] : memref<10000xf32, #tpu.memory_space<vmem>>[vector<16xi32>], vector<16xf32>,
      %sub3A_148 = arith.subf %gather3A_146, %gather3A_147 : vector<16xf32>
      %gather3A_149 = tpu.vector_load_idx %arg13[%get3A_143] : memref<10000xf32, #tpu.memory_space<vmem>>[vector<16xi32>], vector<16xf32>,
      %gather3A_150 = tpu.vector_load_idx %arg13[%get3A_145] : memref<10000xf32, #tpu.memory_space<vmem>>[vector<16xi32>], vector<16xf32>,
      %sub3A_151 = arith.subf %gather3A_149, %gather3A_150 : vector<16xf32>
      %gather3A_152 = tpu.vector_load_idx %arg14[%get3A_143] : memref<10000xf32, #tpu.memory_space<vmem>>[vector<16xi32>], vector<16xf32>,
      %gather3A_153 = tpu.vector_load_idx %arg14[%get3A_145] : memref<10000xf32, #tpu.memory_space<vmem>>[vector<16xi32>], vector<16xf32>,
      %sub3A_154 = arith.subf %gather3A_152, %gather3A_153 : vector<16xf32>
      %mul3A_155 = arith.mulf %sub3A_148, %sub3A_148 : vector<16xf32>
      %mul3A_156 = arith.mulf %sub3A_151, %sub3A_151 : vector<16xf32>
      %add3A_157 = arith.addf %mul3A_155, %mul3A_156 : vector<16xf32>
      %mul3A_158 = arith.mulf %sub3A_154, %sub3A_154 : vector<16xf32>
      %add3A_159 = arith.addf %add3A_157, %mul3A_158 : vector<16xf32>
      %swap3A_160 = arith.constant 96 : index
      %swap3A_161 = tpu.vector_load %arg19[%swap3A_160] {strides = array<i32>} : memref<128xf32, #tpu.memory_space<vmem>>, vector<16xf32>,
      tpu.vector_store %arg19[%swap3A_160], %add3A_159 {strides = array<i32>} : memref<128xf32, #tpu.memory_space<vmem>>, vector<16xf32>,
      %get3A_162 = arith.constant 112 : index
      %get3A_163 = tpu.vector_load %arg15[%get3A_162] {strides = array<i32>} : memref<128xi32, #tpu.memory_space<vmem>>, vector<16xi32>,
      %get3A_164 = arith.constant 112 : index
      %get3A_165 = tpu.vector_load %arg16[%get3A_164] {strides = array<i32>} : memref<128xi32, #tpu.memory_space<vmem>>, vector<16xi32>,
      %gather3A_166 = tpu.vector_load_idx %arg12[%get3A_163] : memref<10000xf32, #tpu.memory_space<vmem>>[vector<16xi32>], vector<16xf32>,
      %gather3A_167 = tpu.vector_load_idx %arg12[%get3A_165] : memref<10000xf32, #tpu.memory_space<vmem>>[vector<16xi32>], vector<16xf32>,
      %sub3A_168 = arith.subf %gather3A_166, %gather3A_167 : vector<16xf32>
      %gather3A_169 = tpu.vector_load_idx %arg13[%get3A_163] : memref<10000xf32, #tpu.memory_space<vmem>>[vector<16xi32>], vector<16xf32>,
      %gather3A_170 = tpu.vector_load_idx %arg13[%get3A_165] : memref<10000xf32, #tpu.memory_space<vmem>>[vector<16xi32>], vector<16xf32>,
      %sub3A_171 = arith.subf %gather3A_169, %gather3A_170 : vector<16xf32>
      %gather3A_172 = tpu.vector_load_idx %arg14[%get3A_163] : memref<10000xf32, #tpu.memory_space<vmem>>[vector<16xi32>], vector<16xf32>,
      %gather3A_173 = tpu.vector_load_idx %arg14[%get3A_165] : memref<10000xf32, #tpu.memory_space<vmem>>[vector<16xi32>], vector<16xf32>,
      %sub3A_174 = arith.subf %gather3A_172, %gather3A_173 : vector<16xf32>
      %mul3A_175 = arith.mulf %sub3A_168, %sub3A_168 : vector<16xf32>
      %mul3A_176 = arith.mulf %sub3A_171, %sub3A_171 : vector<16xf32>
      %add3A_177 = arith.addf %mul3A_175, %mul3A_176 : vector<16xf32>
      %mul3A_178 = arith.mulf %sub3A_174, %sub3A_174 : vector<16xf32>
      %add3A_179 = arith.addf %add3A_177, %mul3A_178 : vector<16xf32>
      %swap3A_180 = arith.constant 112 : index
      %swap3A_181 = tpu.vector_load %arg19[%swap3A_180] {strides = array<i32>} : memref<128xf32, #tpu.memory_space<vmem>>, vector<16xf32>,
      tpu.vector_store %arg19[%swap3A_180], %add3A_179 {strides = array<i32>} : memref<128xf32, #tpu.memory_space<vmem>>, vector<16xf32>,
      "tpu.region"() ({
        %run_scoped3A = tpu.sem_alloc : memref<!tpu.dma_semaphore, #tpu.memory_space<semaphore_mem>>
        %dma_start3A_187 = tpu.memref_slice %arg11[%mul3A_20] : memref<320000xf32, #tpu.memory_space<hbm>> -> memref<128xf32, #tpu.memory_space<hbm>>
        %dma_start3A_188 = tpu.memref_slice %arg11[%mul3A_20] : memref<320000xf32, #tpu.memory_space<hbm>> -> memref<128xf32, #tpu.memory_space<hbm>>
        tpu.enqueue_dma source(%arg19 : memref<128xf32, #tpu.memory_space<vmem>>) target(%dma_start3A_188 : memref<128xf32, #tpu.memory_space<hbm>>) target_semaphore(%run_scoped3A : memref<!tpu.dma_semaphore, #tpu.memory_space<semaphore_mem>>)
        %dma_wait3A_189 = tpu.memref_slice %arg11[%mul3A_20] : memref<320000xf32, #tpu.memory_space<hbm>> -> memref<128xf32, #tpu.memory_space<hbm>>
        %dma_wait3A_190 = tpu.memref_slice %arg11[%mul3A_20] : memref<320000xf32, #tpu.memory_space<hbm>> -> memref<128xf32, #tpu.memory_space<hbm>>
        tpu.wait_dma2 semaphore(%run_scoped3A : memref<!tpu.dma_semaphore, #tpu.memory_space<semaphore_mem>>) src(%arg19 : memref<128xf32, #tpu.memory_space<vmem>>) dst(%dma_wait3A_190 : memref<128xf32, #tpu.memory_space<hbm>>)
        tpu.yield
      }) : () -> ()
      %dma_wait3A = arith.constant 0 : i32
      %dma_wait3A_182 = arith.constant 0 : i32
      %dma_wait3A_183 = tpu.memref_slice %arg2[%dma_wait3A, %dma_wait3A_182] : memref<10000x128xf32, #tpu.memory_space<hbm>> -> memref<10000x128xf32, #tpu.memory_space<hbm>>
      tpu.wait_indirect_dma semaphore(%arg20 : memref<!tpu.dma_semaphore, #tpu.memory_space<semaphore_mem>>) src(%dma_wait3A_183 : memref<10000x128xf32, #tpu.memory_space<hbm>>) dst(%arg17 : memref<128x128xf32, #tpu.memory_space<vmem>>)
      %dma_wait3A_184 = arith.constant 0 : i32
      %dma_wait3A_185 = arith.constant 0 : i32
      %dma_wait3A_186 = tpu.memref_slice %arg3[%dma_wait3A_184, %dma_wait3A_185] : memref<10000x128xf32, #tpu.memory_space<hbm>> -> memref<10000x128xf32, #tpu.memory_space<hbm>>
      tpu.wait_indirect_dma semaphore(%arg21 : memref<!tpu.dma_semaphore, #tpu.memory_space<semaphore_mem>>) src(%dma_wait3A_186 : memref<10000x128xf32, #tpu.memory_space<hbm>>) dst(%arg18 : memref<128x128xf32, #tpu.memory_space<vmem>>)
      "tpu.region"() ({
        %run_scoped3A = tpu.sem_alloc : memref<!tpu.dma_semaphore, #tpu.memory_space<semaphore_mem>>
        %dma_start3A_187 = arith.constant 0 : i32
        %dma_start3A_188 = tpu.memref_slice %arg9[%mul3A_20, %dma_start3A_187] : memref<320000x128xf32, #tpu.memory_space<hbm>> -> memref<128x128xf32, #tpu.memory_space<hbm>>
        %dma_start3A_189 = arith.constant 0 : i32
        %dma_start3A_190 = tpu.memref_slice %arg9[%mul3A_20, %dma_start3A_189] : memref<320000x128xf32, #tpu.memory_space<hbm>> -> memref<128x128xf32, #tpu.memory_space<hbm>>
        tpu.enqueue_dma source(%arg17 : memref<128x128xf32, #tpu.memory_space<vmem>>) target(%dma_start3A_190 : memref<128x128xf32, #tpu.memory_space<hbm>>) target_semaphore(%run_scoped3A : memref<!tpu.dma_semaphore, #tpu.memory_space<semaphore_mem>>)
        %dma_wait3A_191 = arith.constant 0 : i32
        %dma_wait3A_192 = tpu.memref_slice %arg9[%mul3A_20, %dma_wait3A_191] : memref<320000x128xf32, #tpu.memory_space<hbm>> -> memref<128x128xf32, #tpu.memory_space<hbm>>
        %dma_wait3A_193 = arith.constant 0 : i32
        %dma_wait3A_194 = tpu.memref_slice %arg9[%mul3A_20, %dma_wait3A_193] : memref<320000x128xf32, #tpu.memory_space<hbm>> -> memref<128x128xf32, #tpu.memory_space<hbm>>
        tpu.wait_dma2 semaphore(%run_scoped3A : memref<!tpu.dma_semaphore, #tpu.memory_space<semaphore_mem>>) src(%arg17 : memref<128x128xf32, #tpu.memory_space<vmem>>) dst(%dma_wait3A_194 : memref<128x128xf32, #tpu.memory_space<hbm>>)
        tpu.yield
      }) : () -> ()
      "tpu.region"() ({
        %run_scoped3A = tpu.sem_alloc : memref<!tpu.dma_semaphore, #tpu.memory_space<semaphore_mem>>
        %dma_start3A_187 = arith.constant 0 : i32
        %dma_start3A_188 = tpu.memref_slice %arg10[%mul3A_20, %dma_start3A_187] : memref<320000x128xf32, #tpu.memory_space<hbm>> -> memref<128x128xf32, #tpu.memory_space<hbm>>
        %dma_start3A_189 = arith.constant 0 : i32
        %dma_start3A_190 = tpu.memref_slice %arg10[%mul3A_20, %dma_start3A_189] : memref<320000x128xf32, #tpu.memory_space<hbm>> -> memref<128x128xf32, #tpu.memory_space<hbm>>
        tpu.enqueue_dma source(%arg18 : memref<128x128xf32, #tpu.memory_space<vmem>>) target(%dma_start3A_190 : memref<128x128xf32, #tpu.memory_space<hbm>>) target_semaphore(%run_scoped3A : memref<!tpu.dma_semaphore, #tpu.memory_space<semaphore_mem>>)
        %dma_wait3A_191 = arith.constant 0 : i32
        %dma_wait3A_192 = tpu.memref_slice %arg10[%mul3A_20, %dma_wait3A_191] : memref<320000x128xf32, #tpu.memory_space<hbm>> -> memref<128x128xf32, #tpu.memory_space<hbm>>
        %dma_wait3A_193 = arith.constant 0 : i32
        %dma_wait3A_194 = tpu.memref_slice %arg10[%mul3A_20, %dma_wait3A_193] : memref<320000x128xf32, #tpu.memory_space<hbm>> -> memref<128x128xf32, #tpu.memory_space<hbm>>
        tpu.wait_dma2 semaphore(%run_scoped3A : memref<!tpu.dma_semaphore, #tpu.memory_space<semaphore_mem>>) src(%arg18 : memref<128x128xf32, #tpu.memory_space<vmem>>) dst(%dma_wait3A_194 : memref<128x128xf32, #tpu.memory_space<hbm>>)
        tpu.yield
      }) : () -> ()
    }
    return
  }
}

#map = affine_map<(d0, d1) -> (0, 0)>
#map1 = affine_map<(d0, d1) -> (0)>
#map2 = affine_map<(d0, d1) -> (0, 0, 0)>
module attributes {stable_mosaic.version = 14 : i64} {
  func.func @scatter_kernel(%arg0: i32, %arg1: i32, %arg2: memref<320000x128xf32, #tpu.memory_space<hbm>>, %arg3: memref<320000xi32, #tpu.memory_space<hbm>>, %arg4: memref<128x128xf32, #tpu.memory_space<hbm>>, %arg5: memref<2x10240x128xf32, #tpu.memory_space<hbm>>, %arg6: memref<10240x128xf32, #tpu.memory_space<vmem_shared>>, %arg7: memref<1x128xi32, #tpu.memory_space<vmem>>, %arg8: memref<128x128xf32, #tpu.memory_space<vmem>>, %arg9: memref<128x128xf32, #tpu.memory_space<vmem>>) attributes {dimension_semantics = [#tpu.dimension_semantics<core_parallel>, #tpu.dimension_semantics<subcore_parallel>], iteration_bounds = array<i64: 2, 16>, scalar_prefetch = 0 : i64, scratch_operands = 4 : i64, tpu.core_type = #tpu.core_type<sc_vector_subcore>, window_params = [{transform_indices = #map}, {transform_indices = #map1}, {transform_indices = #map}, {transform_indices = #map2}]} {
    %mul3A = arith.constant 2 : i32
    %mul3A_0 = arith.muli %arg1, %mul3A : i32
    %add3A = arith.addi %mul3A_0, %arg0 : i32
    "tpu.region"() ({
      %run_scoped3A = tpu.sem_alloc : memref<!tpu.dma_semaphore, #tpu.memory_space<semaphore_mem>>
      tpu.enqueue_dma source(%arg4 : memref<128x128xf32, #tpu.memory_space<hbm>>) target(%arg9 : memref<128x128xf32, #tpu.memory_space<vmem>>) target_semaphore(%run_scoped3A : memref<!tpu.dma_semaphore, #tpu.memory_space<semaphore_mem>>)
      tpu.wait_dma2 semaphore(%run_scoped3A : memref<!tpu.dma_semaphore, #tpu.memory_space<semaphore_mem>>) src(%arg4 : memref<128x128xf32, #tpu.memory_space<hbm>>) dst(%arg9 : memref<128x128xf32, #tpu.memory_space<vmem>>)
      tpu.yield
    }) : () -> ()
    %mul3A_1 = arith.constant 640 : i32
    %mul3A_2 = arith.muli %arg1, %mul3A_1 : i32
    %add3A_3 = arith.constant 0 : i32
    %add3A_4 = arith.addi %mul3A_2, %add3A_3 : i32
    "tpu.region"() ({
      %run_scoped3A = tpu.sem_alloc : memref<!tpu.dma_semaphore, #tpu.memory_space<semaphore_mem>>
      %dma_start3A = arith.constant 0 : i32
      %dma_start3A_58 = tpu.memref_slice %arg6[%add3A_4, %dma_start3A] : memref<10240x128xf32, #tpu.memory_space<vmem_shared>> -> memref<128x128xf32, #tpu.memory_space<vmem_shared>>
      %dma_start3A_59 = arith.constant 0 : i32
      %dma_start3A_60 = tpu.memref_slice %arg6[%add3A_4, %dma_start3A_59] : memref<10240x128xf32, #tpu.memory_space<vmem_shared>> -> memref<128x128xf32, #tpu.memory_space<vmem_shared>>
      tpu.enqueue_dma source(%arg9 : memref<128x128xf32, #tpu.memory_space<vmem>>) target(%dma_start3A_60 : memref<128x128xf32, #tpu.memory_space<vmem_shared>>) target_semaphore(%run_scoped3A : memref<!tpu.dma_semaphore, #tpu.memory_space<semaphore_mem>>)
      %dma_wait3A = arith.constant 0 : i32
      %dma_wait3A_61 = tpu.memref_slice %arg6[%add3A_4, %dma_wait3A] : memref<10240x128xf32, #tpu.memory_space<vmem_shared>> -> memref<128x128xf32, #tpu.memory_space<vmem_shared>>
      %dma_wait3A_62 = arith.constant 0 : i32
      %dma_wait3A_63 = tpu.memref_slice %arg6[%add3A_4, %dma_wait3A_62] : memref<10240x128xf32, #tpu.memory_space<vmem_shared>> -> memref<128x128xf32, #tpu.memory_space<vmem_shared>>
      tpu.wait_dma2 semaphore(%run_scoped3A : memref<!tpu.dma_semaphore, #tpu.memory_space<semaphore_mem>>) src(%arg9 : memref<128x128xf32, #tpu.memory_space<vmem>>) dst(%dma_wait3A_63 : memref<128x128xf32, #tpu.memory_space<vmem_shared>>)
      tpu.yield
    }) : () -> ()
    %mul3A_5 = arith.constant 640 : i32
    %mul3A_6 = arith.muli %arg1, %mul3A_5 : i32
    %add3A_7 = arith.constant 128 : i32
    %add3A_8 = arith.addi %mul3A_6, %add3A_7 : i32
    "tpu.region"() ({
      %run_scoped3A = tpu.sem_alloc : memref<!tpu.dma_semaphore, #tpu.memory_space<semaphore_mem>>
      %dma_start3A = arith.constant 0 : i32
      %dma_start3A_58 = tpu.memref_slice %arg6[%add3A_8, %dma_start3A] : memref<10240x128xf32, #tpu.memory_space<vmem_shared>> -> memref<128x128xf32, #tpu.memory_space<vmem_shared>>
      %dma_start3A_59 = arith.constant 0 : i32
      %dma_start3A_60 = tpu.memref_slice %arg6[%add3A_8, %dma_start3A_59] : memref<10240x128xf32, #tpu.memory_space<vmem_shared>> -> memref<128x128xf32, #tpu.memory_space<vmem_shared>>
      tpu.enqueue_dma source(%arg9 : memref<128x128xf32, #tpu.memory_space<vmem>>) target(%dma_start3A_60 : memref<128x128xf32, #tpu.memory_space<vmem_shared>>) target_semaphore(%run_scoped3A : memref<!tpu.dma_semaphore, #tpu.memory_space<semaphore_mem>>)
      %dma_wait3A = arith.constant 0 : i32
      %dma_wait3A_61 = tpu.memref_slice %arg6[%add3A_8, %dma_wait3A] : memref<10240x128xf32, #tpu.memory_space<vmem_shared>> -> memref<128x128xf32, #tpu.memory_space<vmem_shared>>
      %dma_wait3A_62 = arith.constant 0 : i32
      %dma_wait3A_63 = tpu.memref_slice %arg6[%add3A_8, %dma_wait3A_62] : memref<10240x128xf32, #tpu.memory_space<vmem_shared>> -> memref<128x128xf32, #tpu.memory_space<vmem_shared>>
      tpu.wait_dma2 semaphore(%run_scoped3A : memref<!tpu.dma_semaphore, #tpu.memory_space<semaphore_mem>>) src(%arg9 : memref<128x128xf32, #tpu.memory_space<vmem>>) dst(%dma_wait3A_63 : memref<128x128xf32, #tpu.memory_space<vmem_shared>>)
      tpu.yield
    }) : () -> ()
    %mul3A_9 = arith.constant 640 : i32
    %mul3A_10 = arith.muli %arg1, %mul3A_9 : i32
    %add3A_11 = arith.constant 256 : i32
    %add3A_12 = arith.addi %mul3A_10, %add3A_11 : i32
    "tpu.region"() ({
      %run_scoped3A = tpu.sem_alloc : memref<!tpu.dma_semaphore, #tpu.memory_space<semaphore_mem>>
      %dma_start3A = arith.constant 0 : i32
      %dma_start3A_58 = tpu.memref_slice %arg6[%add3A_12, %dma_start3A] : memref<10240x128xf32, #tpu.memory_space<vmem_shared>> -> memref<128x128xf32, #tpu.memory_space<vmem_shared>>
      %dma_start3A_59 = arith.constant 0 : i32
      %dma_start3A_60 = tpu.memref_slice %arg6[%add3A_12, %dma_start3A_59] : memref<10240x128xf32, #tpu.memory_space<vmem_shared>> -> memref<128x128xf32, #tpu.memory_space<vmem_shared>>
      tpu.enqueue_dma source(%arg9 : memref<128x128xf32, #tpu.memory_space<vmem>>) target(%dma_start3A_60 : memref<128x128xf32, #tpu.memory_space<vmem_shared>>) target_semaphore(%run_scoped3A : memref<!tpu.dma_semaphore, #tpu.memory_space<semaphore_mem>>)
      %dma_wait3A = arith.constant 0 : i32
      %dma_wait3A_61 = tpu.memref_slice %arg6[%add3A_12, %dma_wait3A] : memref<10240x128xf32, #tpu.memory_space<vmem_shared>> -> memref<128x128xf32, #tpu.memory_space<vmem_shared>>
      %dma_wait3A_62 = arith.constant 0 : i32
      %dma_wait3A_63 = tpu.memref_slice %arg6[%add3A_12, %dma_wait3A_62] : memref<10240x128xf32, #tpu.memory_space<vmem_shared>> -> memref<128x128xf32, #tpu.memory_space<vmem_shared>>
      tpu.wait_dma2 semaphore(%run_scoped3A : memref<!tpu.dma_semaphore, #tpu.memory_space<semaphore_mem>>) src(%arg9 : memref<128x128xf32, #tpu.memory_space<vmem>>) dst(%dma_wait3A_63 : memref<128x128xf32, #tpu.memory_space<vmem_shared>>)
      tpu.yield
    }) : () -> ()
    %mul3A_13 = arith.constant 640 : i32
    %mul3A_14 = arith.muli %arg1, %mul3A_13 : i32
    %add3A_15 = arith.constant 384 : i32
    %add3A_16 = arith.addi %mul3A_14, %add3A_15 : i32
    "tpu.region"() ({
      %run_scoped3A = tpu.sem_alloc : memref<!tpu.dma_semaphore, #tpu.memory_space<semaphore_mem>>
      %dma_start3A = arith.constant 0 : i32
      %dma_start3A_58 = tpu.memref_slice %arg6[%add3A_16, %dma_start3A] : memref<10240x128xf32, #tpu.memory_space<vmem_shared>> -> memref<128x128xf32, #tpu.memory_space<vmem_shared>>
      %dma_start3A_59 = arith.constant 0 : i32
      %dma_start3A_60 = tpu.memref_slice %arg6[%add3A_16, %dma_start3A_59] : memref<10240x128xf32, #tpu.memory_space<vmem_shared>> -> memref<128x128xf32, #tpu.memory_space<vmem_shared>>
      tpu.enqueue_dma source(%arg9 : memref<128x128xf32, #tpu.memory_space<vmem>>) target(%dma_start3A_60 : memref<128x128xf32, #tpu.memory_space<vmem_shared>>) target_semaphore(%run_scoped3A : memref<!tpu.dma_semaphore, #tpu.memory_space<semaphore_mem>>)
      %dma_wait3A = arith.constant 0 : i32
      %dma_wait3A_61 = tpu.memref_slice %arg6[%add3A_16, %dma_wait3A] : memref<10240x128xf32, #tpu.memory_space<vmem_shared>> -> memref<128x128xf32, #tpu.memory_space<vmem_shared>>
      %dma_wait3A_62 = arith.constant 0 : i32
      %dma_wait3A_63 = tpu.memref_slice %arg6[%add3A_16, %dma_wait3A_62] : memref<10240x128xf32, #tpu.memory_space<vmem_shared>> -> memref<128x128xf32, #tpu.memory_space<vmem_shared>>
      tpu.wait_dma2 semaphore(%run_scoped3A : memref<!tpu.dma_semaphore, #tpu.memory_space<semaphore_mem>>) src(%arg9 : memref<128x128xf32, #tpu.memory_space<vmem>>) dst(%dma_wait3A_63 : memref<128x128xf32, #tpu.memory_space<vmem_shared>>)
      tpu.yield
    }) : () -> ()
    %mul3A_17 = arith.constant 640 : i32
    %mul3A_18 = arith.muli %arg1, %mul3A_17 : i32
    %add3A_19 = arith.constant 512 : i32
    %add3A_20 = arith.addi %mul3A_18, %add3A_19 : i32
    "tpu.region"() ({
      %run_scoped3A = tpu.sem_alloc : memref<!tpu.dma_semaphore, #tpu.memory_space<semaphore_mem>>
      %dma_start3A = arith.constant 0 : i32
      %dma_start3A_58 = tpu.memref_slice %arg6[%add3A_20, %dma_start3A] : memref<10240x128xf32, #tpu.memory_space<vmem_shared>> -> memref<128x128xf32, #tpu.memory_space<vmem_shared>>
      %dma_start3A_59 = arith.constant 0 : i32
      %dma_start3A_60 = tpu.memref_slice %arg6[%add3A_20, %dma_start3A_59] : memref<10240x128xf32, #tpu.memory_space<vmem_shared>> -> memref<128x128xf32, #tpu.memory_space<vmem_shared>>
      tpu.enqueue_dma source(%arg9 : memref<128x128xf32, #tpu.memory_space<vmem>>) target(%dma_start3A_60 : memref<128x128xf32, #tpu.memory_space<vmem_shared>>) target_semaphore(%run_scoped3A : memref<!tpu.dma_semaphore, #tpu.memory_space<semaphore_mem>>)
      %dma_wait3A = arith.constant 0 : i32
      %dma_wait3A_61 = tpu.memref_slice %arg6[%add3A_20, %dma_wait3A] : memref<10240x128xf32, #tpu.memory_space<vmem_shared>> -> memref<128x128xf32, #tpu.memory_space<vmem_shared>>
      %dma_wait3A_62 = arith.constant 0 : i32
      %dma_wait3A_63 = tpu.memref_slice %arg6[%add3A_20, %dma_wait3A_62] : memref<10240x128xf32, #tpu.memory_space<vmem_shared>> -> memref<128x128xf32, #tpu.memory_space<vmem_shared>>
      tpu.wait_dma2 semaphore(%run_scoped3A : memref<!tpu.dma_semaphore, #tpu.memory_space<semaphore_mem>>) src(%arg9 : memref<128x128xf32, #tpu.memory_space<vmem>>) dst(%dma_wait3A_63 : memref<128x128xf32, #tpu.memory_space<vmem_shared>>)
      tpu.yield
    }) : () -> ()
    %barrier3A = arith.constant 0 : index
    tpu.barrier barrier_id(%barrier3A)
    %mul3A_21 = arith.constant 78 : i32
    %mul3A_22 = arith.muli %add3A, %mul3A_21 : i32
    %min3A = arith.constant 4 : i32
    %min3A_23 = arith.minsi %add3A, %min3A : i32
    %add3A_24 = arith.addi %mul3A_22, %min3A_23 : i32
    %lt3A = arith.constant 4 : i32
    %lt3A_25 = arith.cmpi slt, %add3A, %lt3A : i32
    %convert_element_type3A = arith.extui %lt3A_25 : i1 to i32
    %add3A_26 = arith.constant 78 : i32
    %add3A_27 = arith.addi %add3A_26, %convert_element_type3A : i32
    %while3A = arith.constant 0 : i32
    %while3A_28 = arith.constant 0 : i32
    %while3A_29 = arith.subi %add3A_27, %while3A_28 : i32
    %while3A_30 = arith.addi %while3A_28, %while3A_29 : i32
    %while3A_31 = arith.constant 1 : i32
    %while3A_32 = arith.divsi %while3A_29, %while3A_31 : i32
    %while3A_33 = arith.muli %while3A_32, %while3A_31 : i32
    %while3A_34 = arith.addi %while3A_28, %while3A_33 : i32
    %while3A_35 = arith.constant 1 : i32
    scf.for %while3A_58 = %while3A_28 to %while3A_34 step %while3A_35  : i32 {
      %add3A_59 = arith.addi %add3A_24, %while3A_58 : i32
      %mul3A_60 = arith.constant 128 : i32
      %mul3A_61 = arith.muli %add3A_59, %mul3A_60 : i32
      %run_scoped3A = arith.constant 0 : i32
      "tpu.region"() ({
        %run_scoped3A_63 = tpu.sem_alloc : memref<!tpu.dma_semaphore, #tpu.memory_space<semaphore_mem>>
        %dma_start3A = arith.constant 0 : i32
        %dma_start3A_64 = tpu.memref_slice %arg7[%run_scoped3A, %dma_start3A] : memref<1x128xi32, #tpu.memory_space<vmem>> -> memref<1x128xi32, #tpu.memory_space<vmem>>
        %dma_start3A_65 = tpu.memref_squeeze %dma_start3A_64 : memref<1x128xi32, #tpu.memory_space<vmem>> -> memref<128xi32, #tpu.memory_space<vmem>>
        %dma_start3A_66 = tpu.memref_slice %arg3[%mul3A_61] : memref<320000xi32, #tpu.memory_space<hbm>> -> memref<128xi32, #tpu.memory_space<hbm>>
        %dma_start3A_67 = arith.constant 0 : i32
        %dma_start3A_68 = tpu.memref_slice %arg7[%run_scoped3A, %dma_start3A_67] : memref<1x128xi32, #tpu.memory_space<vmem>> -> memref<1x128xi32, #tpu.memory_space<vmem>>
        %dma_start3A_69 = tpu.memref_squeeze %dma_start3A_68 : memref<1x128xi32, #tpu.memory_space<vmem>> -> memref<128xi32, #tpu.memory_space<vmem>>
        %dma_start3A_70 = tpu.memref_slice %arg3[%mul3A_61] : memref<320000xi32, #tpu.memory_space<hbm>> -> memref<128xi32, #tpu.memory_space<hbm>>
        tpu.enqueue_dma source(%dma_start3A_70 : memref<128xi32, #tpu.memory_space<hbm>>) target(%dma_start3A_69 : memref<128xi32, #tpu.memory_space<vmem>>) target_semaphore(%run_scoped3A_63 : memref<!tpu.dma_semaphore, #tpu.memory_space<semaphore_mem>>)
        %dma_wait3A = arith.constant 0 : i32
        %dma_wait3A_71 = tpu.memref_slice %arg7[%run_scoped3A, %dma_wait3A] : memref<1x128xi32, #tpu.memory_space<vmem>> -> memref<1x128xi32, #tpu.memory_space<vmem>>
        %dma_wait3A_72 = tpu.memref_squeeze %dma_wait3A_71 : memref<1x128xi32, #tpu.memory_space<vmem>> -> memref<128xi32, #tpu.memory_space<vmem>>
        %dma_wait3A_73 = tpu.memref_slice %arg3[%mul3A_61] : memref<320000xi32, #tpu.memory_space<hbm>> -> memref<128xi32, #tpu.memory_space<hbm>>
        %dma_wait3A_74 = arith.constant 0 : i32
        %dma_wait3A_75 = tpu.memref_slice %arg7[%run_scoped3A, %dma_wait3A_74] : memref<1x128xi32, #tpu.memory_space<vmem>> -> memref<1x128xi32, #tpu.memory_space<vmem>>
        %dma_wait3A_76 = tpu.memref_squeeze %dma_wait3A_75 : memref<1x128xi32, #tpu.memory_space<vmem>> -> memref<128xi32, #tpu.memory_space<vmem>>
        %dma_wait3A_77 = tpu.memref_slice %arg3[%mul3A_61] : memref<320000xi32, #tpu.memory_space<hbm>> -> memref<128xi32, #tpu.memory_space<hbm>>
        tpu.wait_dma2 semaphore(%run_scoped3A_63 : memref<!tpu.dma_semaphore, #tpu.memory_space<semaphore_mem>>) src(%dma_wait3A_77 : memref<128xi32, #tpu.memory_space<hbm>>) dst(%dma_wait3A_76 : memref<128xi32, #tpu.memory_space<vmem>>)
        tpu.yield
      }) : () -> ()
      "tpu.region"() ({
        %run_scoped3A_63 = tpu.sem_alloc : memref<!tpu.dma_semaphore, #tpu.memory_space<semaphore_mem>>
        %dma_start3A = arith.constant 0 : i32
        %dma_start3A_64 = tpu.memref_slice %arg2[%mul3A_61, %dma_start3A] : memref<320000x128xf32, #tpu.memory_space<hbm>> -> memref<128x128xf32, #tpu.memory_space<hbm>>
        %dma_start3A_65 = arith.constant 0 : i32
        %dma_start3A_66 = tpu.memref_slice %arg2[%mul3A_61, %dma_start3A_65] : memref<320000x128xf32, #tpu.memory_space<hbm>> -> memref<128x128xf32, #tpu.memory_space<hbm>>
        tpu.enqueue_dma source(%dma_start3A_66 : memref<128x128xf32, #tpu.memory_space<hbm>>) target(%arg8 : memref<128x128xf32, #tpu.memory_space<vmem>>) target_semaphore(%run_scoped3A_63 : memref<!tpu.dma_semaphore, #tpu.memory_space<semaphore_mem>>)
        %dma_wait3A = arith.constant 0 : i32
        %dma_wait3A_67 = tpu.memref_slice %arg2[%mul3A_61, %dma_wait3A] : memref<320000x128xf32, #tpu.memory_space<hbm>> -> memref<128x128xf32, #tpu.memory_space<hbm>>
        %dma_wait3A_68 = arith.constant 0 : i32
        %dma_wait3A_69 = tpu.memref_slice %arg2[%mul3A_61, %dma_wait3A_68] : memref<320000x128xf32, #tpu.memory_space<hbm>> -> memref<128x128xf32, #tpu.memory_space<hbm>>
        tpu.wait_dma2 semaphore(%run_scoped3A_63 : memref<!tpu.dma_semaphore, #tpu.memory_space<semaphore_mem>>) src(%dma_wait3A_69 : memref<128x128xf32, #tpu.memory_space<hbm>>) dst(%arg8 : memref<128x128xf32, #tpu.memory_space<vmem>>)
        tpu.yield
      }) : () -> ()
      %run_scoped3A_62 = arith.constant 0 : i32
      "tpu.region"() ({
        %run_scoped3A_63 = tpu.sem_alloc : memref<!tpu.dma_semaphore, #tpu.memory_space<semaphore_mem>>
        %dma_start3A = arith.constant 0 : i32
        %dma_start3A_64 = tpu.memref_slice %arg7[%run_scoped3A_62, %dma_start3A] : memref<1x128xi32, #tpu.memory_space<vmem>> -> memref<1x128xi32, #tpu.memory_space<vmem>>
        %dma_start3A_65 = tpu.memref_squeeze %dma_start3A_64 : memref<1x128xi32, #tpu.memory_space<vmem>> -> memref<128xi32, #tpu.memory_space<vmem>>
        %dma_start3A_66 = arith.constant 0 : i32
        %dma_start3A_67 = arith.constant 0 : i32
        %dma_start3A_68 = tpu.memref_slice %arg6[%dma_start3A_66, %dma_start3A_67] : memref<10240x128xf32, #tpu.memory_space<vmem_shared>> -> memref<10240x128xf32, #tpu.memory_space<vmem_shared>>
        tpu.enqueue_indirect_dma source(%arg8 : memref<128x128xf32, #tpu.memory_space<vmem>>) target(%dma_start3A_68 : memref<10240x128xf32, #tpu.memory_space<vmem_shared>>) offsets(%dma_start3A_65 : memref<128xi32, #tpu.memory_space<vmem>>) semaphore(%run_scoped3A_63 : memref<!tpu.dma_semaphore, #tpu.memory_space<semaphore_mem>>) {add = true}
        %dma_wait3A = arith.constant 0 : i32
        %dma_wait3A_69 = tpu.memref_slice %arg7[%run_scoped3A_62, %dma_wait3A] : memref<1x128xi32, #tpu.memory_space<vmem>> -> memref<1x128xi32, #tpu.memory_space<vmem>>
        %dma_wait3A_70 = tpu.memref_squeeze %dma_wait3A_69 : memref<1x128xi32, #tpu.memory_space<vmem>> -> memref<128xi32, #tpu.memory_space<vmem>>
        %dma_wait3A_71 = arith.constant 0 : i32
        %dma_wait3A_72 = arith.constant 0 : i32
        %dma_wait3A_73 = tpu.memref_slice %arg6[%dma_wait3A_71, %dma_wait3A_72] : memref<10240x128xf32, #tpu.memory_space<vmem_shared>> -> memref<10240x128xf32, #tpu.memory_space<vmem_shared>>
        tpu.wait_indirect_dma semaphore(%run_scoped3A_63 : memref<!tpu.dma_semaphore, #tpu.memory_space<semaphore_mem>>) src(%arg8 : memref<128x128xf32, #tpu.memory_space<vmem>>) dst(%dma_wait3A_73 : memref<10240x128xf32, #tpu.memory_space<vmem_shared>>)
        tpu.yield
      }) : () -> ()
    }
    %while3A_36 = arith.constant 1 : i32
    scf.for %while3A_58 = %while3A_34 to %while3A_30 step %while3A_36  : i32 {
      %add3A_59 = arith.addi %add3A_24, %while3A_58 : i32
      %mul3A_60 = arith.constant 128 : i32
      %mul3A_61 = arith.muli %add3A_59, %mul3A_60 : i32
      %run_scoped3A = arith.constant 0 : i32
      "tpu.region"() ({
        %run_scoped3A_63 = tpu.sem_alloc : memref<!tpu.dma_semaphore, #tpu.memory_space<semaphore_mem>>
        %dma_start3A = arith.constant 0 : i32
        %dma_start3A_64 = tpu.memref_slice %arg7[%run_scoped3A, %dma_start3A] : memref<1x128xi32, #tpu.memory_space<vmem>> -> memref<1x128xi32, #tpu.memory_space<vmem>>
        %dma_start3A_65 = tpu.memref_squeeze %dma_start3A_64 : memref<1x128xi32, #tpu.memory_space<vmem>> -> memref<128xi32, #tpu.memory_space<vmem>>
        %dma_start3A_66 = tpu.memref_slice %arg3[%mul3A_61] : memref<320000xi32, #tpu.memory_space<hbm>> -> memref<128xi32, #tpu.memory_space<hbm>>
        %dma_start3A_67 = arith.constant 0 : i32
        %dma_start3A_68 = tpu.memref_slice %arg7[%run_scoped3A, %dma_start3A_67] : memref<1x128xi32, #tpu.memory_space<vmem>> -> memref<1x128xi32, #tpu.memory_space<vmem>>
        %dma_start3A_69 = tpu.memref_squeeze %dma_start3A_68 : memref<1x128xi32, #tpu.memory_space<vmem>> -> memref<128xi32, #tpu.memory_space<vmem>>
        %dma_start3A_70 = tpu.memref_slice %arg3[%mul3A_61] : memref<320000xi32, #tpu.memory_space<hbm>> -> memref<128xi32, #tpu.memory_space<hbm>>
        tpu.enqueue_dma source(%dma_start3A_70 : memref<128xi32, #tpu.memory_space<hbm>>) target(%dma_start3A_69 : memref<128xi32, #tpu.memory_space<vmem>>) target_semaphore(%run_scoped3A_63 : memref<!tpu.dma_semaphore, #tpu.memory_space<semaphore_mem>>)
        %dma_wait3A = arith.constant 0 : i32
        %dma_wait3A_71 = tpu.memref_slice %arg7[%run_scoped3A, %dma_wait3A] : memref<1x128xi32, #tpu.memory_space<vmem>> -> memref<1x128xi32, #tpu.memory_space<vmem>>
        %dma_wait3A_72 = tpu.memref_squeeze %dma_wait3A_71 : memref<1x128xi32, #tpu.memory_space<vmem>> -> memref<128xi32, #tpu.memory_space<vmem>>
        %dma_wait3A_73 = tpu.memref_slice %arg3[%mul3A_61] : memref<320000xi32, #tpu.memory_space<hbm>> -> memref<128xi32, #tpu.memory_space<hbm>>
        %dma_wait3A_74 = arith.constant 0 : i32
        %dma_wait3A_75 = tpu.memref_slice %arg7[%run_scoped3A, %dma_wait3A_74] : memref<1x128xi32, #tpu.memory_space<vmem>> -> memref<1x128xi32, #tpu.memory_space<vmem>>
        %dma_wait3A_76 = tpu.memref_squeeze %dma_wait3A_75 : memref<1x128xi32, #tpu.memory_space<vmem>> -> memref<128xi32, #tpu.memory_space<vmem>>
        %dma_wait3A_77 = tpu.memref_slice %arg3[%mul3A_61] : memref<320000xi32, #tpu.memory_space<hbm>> -> memref<128xi32, #tpu.memory_space<hbm>>
        tpu.wait_dma2 semaphore(%run_scoped3A_63 : memref<!tpu.dma_semaphore, #tpu.memory_space<semaphore_mem>>) src(%dma_wait3A_77 : memref<128xi32, #tpu.memory_space<hbm>>) dst(%dma_wait3A_76 : memref<128xi32, #tpu.memory_space<vmem>>)
        tpu.yield
      }) : () -> ()
      "tpu.region"() ({
        %run_scoped3A_63 = tpu.sem_alloc : memref<!tpu.dma_semaphore, #tpu.memory_space<semaphore_mem>>
        %dma_start3A = arith.constant 0 : i32
        %dma_start3A_64 = tpu.memref_slice %arg2[%mul3A_61, %dma_start3A] : memref<320000x128xf32, #tpu.memory_space<hbm>> -> memref<128x128xf32, #tpu.memory_space<hbm>>
        %dma_start3A_65 = arith.constant 0 : i32
        %dma_start3A_66 = tpu.memref_slice %arg2[%mul3A_61, %dma_start3A_65] : memref<320000x128xf32, #tpu.memory_space<hbm>> -> memref<128x128xf32, #tpu.memory_space<hbm>>
        tpu.enqueue_dma source(%dma_start3A_66 : memref<128x128xf32, #tpu.memory_space<hbm>>) target(%arg8 : memref<128x128xf32, #tpu.memory_space<vmem>>) target_semaphore(%run_scoped3A_63 : memref<!tpu.dma_semaphore, #tpu.memory_space<semaphore_mem>>)
        %dma_wait3A = arith.constant 0 : i32
        %dma_wait3A_67 = tpu.memref_slice %arg2[%mul3A_61, %dma_wait3A] : memref<320000x128xf32, #tpu.memory_space<hbm>> -> memref<128x128xf32, #tpu.memory_space<hbm>>
        %dma_wait3A_68 = arith.constant 0 : i32
        %dma_wait3A_69 = tpu.memref_slice %arg2[%mul3A_61, %dma_wait3A_68] : memref<320000x128xf32, #tpu.memory_space<hbm>> -> memref<128x128xf32, #tpu.memory_space<hbm>>
        tpu.wait_dma2 semaphore(%run_scoped3A_63 : memref<!tpu.dma_semaphore, #tpu.memory_space<semaphore_mem>>) src(%dma_wait3A_69 : memref<128x128xf32, #tpu.memory_space<hbm>>) dst(%arg8 : memref<128x128xf32, #tpu.memory_space<vmem>>)
        tpu.yield
      }) : () -> ()
      %run_scoped3A_62 = arith.constant 0 : i32
      "tpu.region"() ({
        %run_scoped3A_63 = tpu.sem_alloc : memref<!tpu.dma_semaphore, #tpu.memory_space<semaphore_mem>>
        %dma_start3A = arith.constant 0 : i32
        %dma_start3A_64 = tpu.memref_slice %arg7[%run_scoped3A_62, %dma_start3A] : memref<1x128xi32, #tpu.memory_space<vmem>> -> memref<1x128xi32, #tpu.memory_space<vmem>>
        %dma_start3A_65 = tpu.memref_squeeze %dma_start3A_64 : memref<1x128xi32, #tpu.memory_space<vmem>> -> memref<128xi32, #tpu.memory_space<vmem>>
        %dma_start3A_66 = arith.constant 0 : i32
        %dma_start3A_67 = arith.constant 0 : i32
        %dma_start3A_68 = tpu.memref_slice %arg6[%dma_start3A_66, %dma_start3A_67] : memref<10240x128xf32, #tpu.memory_space<vmem_shared>> -> memref<10240x128xf32, #tpu.memory_space<vmem_shared>>
        tpu.enqueue_indirect_dma source(%arg8 : memref<128x128xf32, #tpu.memory_space<vmem>>) target(%dma_start3A_68 : memref<10240x128xf32, #tpu.memory_space<vmem_shared>>) offsets(%dma_start3A_65 : memref<128xi32, #tpu.memory_space<vmem>>) semaphore(%run_scoped3A_63 : memref<!tpu.dma_semaphore, #tpu.memory_space<semaphore_mem>>) {add = true}
        %dma_wait3A = arith.constant 0 : i32
        %dma_wait3A_69 = tpu.memref_slice %arg7[%run_scoped3A_62, %dma_wait3A] : memref<1x128xi32, #tpu.memory_space<vmem>> -> memref<1x128xi32, #tpu.memory_space<vmem>>
        %dma_wait3A_70 = tpu.memref_squeeze %dma_wait3A_69 : memref<1x128xi32, #tpu.memory_space<vmem>> -> memref<128xi32, #tpu.memory_space<vmem>>
        %dma_wait3A_71 = arith.constant 0 : i32
        %dma_wait3A_72 = arith.constant 0 : i32
        %dma_wait3A_73 = tpu.memref_slice %arg6[%dma_wait3A_71, %dma_wait3A_72] : memref<10240x128xf32, #tpu.memory_space<vmem_shared>> -> memref<10240x128xf32, #tpu.memory_space<vmem_shared>>
        tpu.wait_indirect_dma semaphore(%run_scoped3A_63 : memref<!tpu.dma_semaphore, #tpu.memory_space<semaphore_mem>>) src(%arg8 : memref<128x128xf32, #tpu.memory_space<vmem>>) dst(%dma_wait3A_73 : memref<10240x128xf32, #tpu.memory_space<vmem_shared>>)
        tpu.yield
      }) : () -> ()
    }
    %barrier3A_37 = arith.constant 0 : index
    tpu.barrier barrier_id(%barrier3A_37)
    %mul3A_38 = arith.constant 640 : i32
    %mul3A_39 = arith.muli %arg1, %mul3A_38 : i32
    %add3A_40 = arith.constant 0 : i32
    %add3A_41 = arith.addi %mul3A_39, %add3A_40 : i32
    "tpu.region"() ({
      %run_scoped3A = tpu.sem_alloc : memref<!tpu.dma_semaphore, #tpu.memory_space<semaphore_mem>>
      %dma_start3A = arith.constant 0 : i32
      %dma_start3A_58 = tpu.memref_slice %arg6[%add3A_41, %dma_start3A] : memref<10240x128xf32, #tpu.memory_space<vmem_shared>> -> memref<128x128xf32, #tpu.memory_space<vmem_shared>>
      %dma_start3A_59 = arith.constant 0 : i32
      %dma_start3A_60 = tpu.memref_slice %arg6[%add3A_41, %dma_start3A_59] : memref<10240x128xf32, #tpu.memory_space<vmem_shared>> -> memref<128x128xf32, #tpu.memory_space<vmem_shared>>
      tpu.enqueue_dma source(%dma_start3A_60 : memref<128x128xf32, #tpu.memory_space<vmem_shared>>) target(%arg9 : memref<128x128xf32, #tpu.memory_space<vmem>>) target_semaphore(%run_scoped3A : memref<!tpu.dma_semaphore, #tpu.memory_space<semaphore_mem>>)
      %dma_wait3A = arith.constant 0 : i32
      %dma_wait3A_61 = tpu.memref_slice %arg6[%add3A_41, %dma_wait3A] : memref<10240x128xf32, #tpu.memory_space<vmem_shared>> -> memref<128x128xf32, #tpu.memory_space<vmem_shared>>
      %dma_wait3A_62 = arith.constant 0 : i32
      %dma_wait3A_63 = tpu.memref_slice %arg6[%add3A_41, %dma_wait3A_62] : memref<10240x128xf32, #tpu.memory_space<vmem_shared>> -> memref<128x128xf32, #tpu.memory_space<vmem_shared>>
      tpu.wait_dma2 semaphore(%run_scoped3A : memref<!tpu.dma_semaphore, #tpu.memory_space<semaphore_mem>>) src(%dma_wait3A_63 : memref<128x128xf32, #tpu.memory_space<vmem_shared>>) dst(%arg9 : memref<128x128xf32, #tpu.memory_space<vmem>>)
      tpu.yield
    }) : () -> ()
    "tpu.region"() ({
      %run_scoped3A = tpu.sem_alloc : memref<!tpu.dma_semaphore, #tpu.memory_space<semaphore_mem>>
      %dma_start3A = arith.constant 0 : i32
      %dma_start3A_58 = tpu.memref_slice %arg5[%arg0, %add3A_41, %dma_start3A] : memref<2x10240x128xf32, #tpu.memory_space<hbm>> -> memref<1x128x128xf32, #tpu.memory_space<hbm>>
      %dma_start3A_59 = tpu.memref_squeeze %dma_start3A_58 : memref<1x128x128xf32, #tpu.memory_space<hbm>> -> memref<128x128xf32, #tpu.memory_space<hbm>>
      %dma_start3A_60 = arith.constant 0 : i32
      %dma_start3A_61 = tpu.memref_slice %arg5[%arg0, %add3A_41, %dma_start3A_60] : memref<2x10240x128xf32, #tpu.memory_space<hbm>> -> memref<1x128x128xf32, #tpu.memory_space<hbm>>
      %dma_start3A_62 = tpu.memref_squeeze %dma_start3A_61 : memref<1x128x128xf32, #tpu.memory_space<hbm>> -> memref<128x128xf32, #tpu.memory_space<hbm>>
      tpu.enqueue_dma source(%arg9 : memref<128x128xf32, #tpu.memory_space<vmem>>) target(%dma_start3A_62 : memref<128x128xf32, #tpu.memory_space<hbm>>) target_semaphore(%run_scoped3A : memref<!tpu.dma_semaphore, #tpu.memory_space<semaphore_mem>>)
      %dma_wait3A = arith.constant 0 : i32
      %dma_wait3A_63 = tpu.memref_slice %arg5[%arg0, %add3A_41, %dma_wait3A] : memref<2x10240x128xf32, #tpu.memory_space<hbm>> -> memref<1x128x128xf32, #tpu.memory_space<hbm>>
      %dma_wait3A_64 = tpu.memref_squeeze %dma_wait3A_63 : memref<1x128x128xf32, #tpu.memory_space<hbm>> -> memref<128x128xf32, #tpu.memory_space<hbm>>
      %dma_wait3A_65 = arith.constant 0 : i32
      %dma_wait3A_66 = tpu.memref_slice %arg5[%arg0, %add3A_41, %dma_wait3A_65] : memref<2x10240x128xf32, #tpu.memory_space<hbm>> -> memref<1x128x128xf32, #tpu.memory_space<hbm>>
      %dma_wait3A_67 = tpu.memref_squeeze %dma_wait3A_66 : memref<1x128x128xf32, #tpu.memory_space<hbm>> -> memref<128x128xf32, #tpu.memory_space<hbm>>
      tpu.wait_dma2 semaphore(%run_scoped3A : memref<!tpu.dma_semaphore, #tpu.memory_space<semaphore_mem>>) src(%arg9 : memref<128x128xf32, #tpu.memory_space<vmem>>) dst(%dma_wait3A_67 : memref<128x128xf32, #tpu.memory_space<hbm>>)
      tpu.yield
    }) : () -> ()
    %mul3A_42 = arith.constant 640 : i32
    %mul3A_43 = arith.muli %arg1, %mul3A_42 : i32
    %add3A_44 = arith.constant 128 : i32
    %add3A_45 = arith.addi %mul3A_43, %add3A_44 : i32
    "tpu.region"() ({
      %run_scoped3A = tpu.sem_alloc : memref<!tpu.dma_semaphore, #tpu.memory_space<semaphore_mem>>
      %dma_start3A = arith.constant 0 : i32
      %dma_start3A_58 = tpu.memref_slice %arg6[%add3A_45, %dma_start3A] : memref<10240x128xf32, #tpu.memory_space<vmem_shared>> -> memref<128x128xf32, #tpu.memory_space<vmem_shared>>
      %dma_start3A_59 = arith.constant 0 : i32
      %dma_start3A_60 = tpu.memref_slice %arg6[%add3A_45, %dma_start3A_59] : memref<10240x128xf32, #tpu.memory_space<vmem_shared>> -> memref<128x128xf32, #tpu.memory_space<vmem_shared>>
      tpu.enqueue_dma source(%dma_start3A_60 : memref<128x128xf32, #tpu.memory_space<vmem_shared>>) target(%arg9 : memref<128x128xf32, #tpu.memory_space<vmem>>) target_semaphore(%run_scoped3A : memref<!tpu.dma_semaphore, #tpu.memory_space<semaphore_mem>>)
      %dma_wait3A = arith.constant 0 : i32
      %dma_wait3A_61 = tpu.memref_slice %arg6[%add3A_45, %dma_wait3A] : memref<10240x128xf32, #tpu.memory_space<vmem_shared>> -> memref<128x128xf32, #tpu.memory_space<vmem_shared>>
      %dma_wait3A_62 = arith.constant 0 : i32
      %dma_wait3A_63 = tpu.memref_slice %arg6[%add3A_45, %dma_wait3A_62] : memref<10240x128xf32, #tpu.memory_space<vmem_shared>> -> memref<128x128xf32, #tpu.memory_space<vmem_shared>>
      tpu.wait_dma2 semaphore(%run_scoped3A : memref<!tpu.dma_semaphore, #tpu.memory_space<semaphore_mem>>) src(%dma_wait3A_63 : memref<128x128xf32, #tpu.memory_space<vmem_shared>>) dst(%arg9 : memref<128x128xf32, #tpu.memory_space<vmem>>)
      tpu.yield
    }) : () -> ()
    "tpu.region"() ({
      %run_scoped3A = tpu.sem_alloc : memref<!tpu.dma_semaphore, #tpu.memory_space<semaphore_mem>>
      %dma_start3A = arith.constant 0 : i32
      %dma_start3A_58 = tpu.memref_slice %arg5[%arg0, %add3A_45, %dma_start3A] : memref<2x10240x128xf32, #tpu.memory_space<hbm>> -> memref<1x128x128xf32, #tpu.memory_space<hbm>>
      %dma_start3A_59 = tpu.memref_squeeze %dma_start3A_58 : memref<1x128x128xf32, #tpu.memory_space<hbm>> -> memref<128x128xf32, #tpu.memory_space<hbm>>
      %dma_start3A_60 = arith.constant 0 : i32
      %dma_start3A_61 = tpu.memref_slice %arg5[%arg0, %add3A_45, %dma_start3A_60] : memref<2x10240x128xf32, #tpu.memory_space<hbm>> -> memref<1x128x128xf32, #tpu.memory_space<hbm>>
      %dma_start3A_62 = tpu.memref_squeeze %dma_start3A_61 : memref<1x128x128xf32, #tpu.memory_space<hbm>> -> memref<128x128xf32, #tpu.memory_space<hbm>>
      tpu.enqueue_dma source(%arg9 : memref<128x128xf32, #tpu.memory_space<vmem>>) target(%dma_start3A_62 : memref<128x128xf32, #tpu.memory_space<hbm>>) target_semaphore(%run_scoped3A : memref<!tpu.dma_semaphore, #tpu.memory_space<semaphore_mem>>)
      %dma_wait3A = arith.constant 0 : i32
      %dma_wait3A_63 = tpu.memref_slice %arg5[%arg0, %add3A_45, %dma_wait3A] : memref<2x10240x128xf32, #tpu.memory_space<hbm>> -> memref<1x128x128xf32, #tpu.memory_space<hbm>>
      %dma_wait3A_64 = tpu.memref_squeeze %dma_wait3A_63 : memref<1x128x128xf32, #tpu.memory_space<hbm>> -> memref<128x128xf32, #tpu.memory_space<hbm>>
      %dma_wait3A_65 = arith.constant 0 : i32
      %dma_wait3A_66 = tpu.memref_slice %arg5[%arg0, %add3A_45, %dma_wait3A_65] : memref<2x10240x128xf32, #tpu.memory_space<hbm>> -> memref<1x128x128xf32, #tpu.memory_space<hbm>>
      %dma_wait3A_67 = tpu.memref_squeeze %dma_wait3A_66 : memref<1x128x128xf32, #tpu.memory_space<hbm>> -> memref<128x128xf32, #tpu.memory_space<hbm>>
      tpu.wait_dma2 semaphore(%run_scoped3A : memref<!tpu.dma_semaphore, #tpu.memory_space<semaphore_mem>>) src(%arg9 : memref<128x128xf32, #tpu.memory_space<vmem>>) dst(%dma_wait3A_67 : memref<128x128xf32, #tpu.memory_space<hbm>>)
      tpu.yield
    }) : () -> ()
    %mul3A_46 = arith.constant 640 : i32
    %mul3A_47 = arith.muli %arg1, %mul3A_46 : i32
    %add3A_48 = arith.constant 256 : i32
    %add3A_49 = arith.addi %mul3A_47, %add3A_48 : i32
    "tpu.region"() ({
      %run_scoped3A = tpu.sem_alloc : memref<!tpu.dma_semaphore, #tpu.memory_space<semaphore_mem>>
      %dma_start3A = arith.constant 0 : i32
      %dma_start3A_58 = tpu.memref_slice %arg6[%add3A_49, %dma_start3A] : memref<10240x128xf32, #tpu.memory_space<vmem_shared>> -> memref<128x128xf32, #tpu.memory_space<vmem_shared>>
      %dma_start3A_59 = arith.constant 0 : i32
      %dma_start3A_60 = tpu.memref_slice %arg6[%add3A_49, %dma_start3A_59] : memref<10240x128xf32, #tpu.memory_space<vmem_shared>> -> memref<128x128xf32, #tpu.memory_space<vmem_shared>>
      tpu.enqueue_dma source(%dma_start3A_60 : memref<128x128xf32, #tpu.memory_space<vmem_shared>>) target(%arg9 : memref<128x128xf32, #tpu.memory_space<vmem>>) target_semaphore(%run_scoped3A : memref<!tpu.dma_semaphore, #tpu.memory_space<semaphore_mem>>)
      %dma_wait3A = arith.constant 0 : i32
      %dma_wait3A_61 = tpu.memref_slice %arg6[%add3A_49, %dma_wait3A] : memref<10240x128xf32, #tpu.memory_space<vmem_shared>> -> memref<128x128xf32, #tpu.memory_space<vmem_shared>>
      %dma_wait3A_62 = arith.constant 0 : i32
      %dma_wait3A_63 = tpu.memref_slice %arg6[%add3A_49, %dma_wait3A_62] : memref<10240x128xf32, #tpu.memory_space<vmem_shared>> -> memref<128x128xf32, #tpu.memory_space<vmem_shared>>
      tpu.wait_dma2 semaphore(%run_scoped3A : memref<!tpu.dma_semaphore, #tpu.memory_space<semaphore_mem>>) src(%dma_wait3A_63 : memref<128x128xf32, #tpu.memory_space<vmem_shared>>) dst(%arg9 : memref<128x128xf32, #tpu.memory_space<vmem>>)
      tpu.yield
    }) : () -> ()
    "tpu.region"() ({
      %run_scoped3A = tpu.sem_alloc : memref<!tpu.dma_semaphore, #tpu.memory_space<semaphore_mem>>
      %dma_start3A = arith.constant 0 : i32
      %dma_start3A_58 = tpu.memref_slice %arg5[%arg0, %add3A_49, %dma_start3A] : memref<2x10240x128xf32, #tpu.memory_space<hbm>> -> memref<1x128x128xf32, #tpu.memory_space<hbm>>
      %dma_start3A_59 = tpu.memref_squeeze %dma_start3A_58 : memref<1x128x128xf32, #tpu.memory_space<hbm>> -> memref<128x128xf32, #tpu.memory_space<hbm>>
      %dma_start3A_60 = arith.constant 0 : i32
      %dma_start3A_61 = tpu.memref_slice %arg5[%arg0, %add3A_49, %dma_start3A_60] : memref<2x10240x128xf32, #tpu.memory_space<hbm>> -> memref<1x128x128xf32, #tpu.memory_space<hbm>>
      %dma_start3A_62 = tpu.memref_squeeze %dma_start3A_61 : memref<1x128x128xf32, #tpu.memory_space<hbm>> -> memref<128x128xf32, #tpu.memory_space<hbm>>
      tpu.enqueue_dma source(%arg9 : memref<128x128xf32, #tpu.memory_space<vmem>>) target(%dma_start3A_62 : memref<128x128xf32, #tpu.memory_space<hbm>>) target_semaphore(%run_scoped3A : memref<!tpu.dma_semaphore, #tpu.memory_space<semaphore_mem>>)
      %dma_wait3A = arith.constant 0 : i32
      %dma_wait3A_63 = tpu.memref_slice %arg5[%arg0, %add3A_49, %dma_wait3A] : memref<2x10240x128xf32, #tpu.memory_space<hbm>> -> memref<1x128x128xf32, #tpu.memory_space<hbm>>
      %dma_wait3A_64 = tpu.memref_squeeze %dma_wait3A_63 : memref<1x128x128xf32, #tpu.memory_space<hbm>> -> memref<128x128xf32, #tpu.memory_space<hbm>>
      %dma_wait3A_65 = arith.constant 0 : i32
      %dma_wait3A_66 = tpu.memref_slice %arg5[%arg0, %add3A_49, %dma_wait3A_65] : memref<2x10240x128xf32, #tpu.memory_space<hbm>> -> memref<1x128x128xf32, #tpu.memory_space<hbm>>
      %dma_wait3A_67 = tpu.memref_squeeze %dma_wait3A_66 : memref<1x128x128xf32, #tpu.memory_space<hbm>> -> memref<128x128xf32, #tpu.memory_space<hbm>>
      tpu.wait_dma2 semaphore(%run_scoped3A : memref<!tpu.dma_semaphore, #tpu.memory_space<semaphore_mem>>) src(%arg9 : memref<128x128xf32, #tpu.memory_space<vmem>>) dst(%dma_wait3A_67 : memref<128x128xf32, #tpu.memory_space<hbm>>)
      tpu.yield
    }) : () -> ()
    %mul3A_50 = arith.constant 640 : i32
    %mul3A_51 = arith.muli %arg1, %mul3A_50 : i32
    %add3A_52 = arith.constant 384 : i32
    %add3A_53 = arith.addi %mul3A_51, %add3A_52 : i32
    "tpu.region"() ({
      %run_scoped3A = tpu.sem_alloc : memref<!tpu.dma_semaphore, #tpu.memory_space<semaphore_mem>>
      %dma_start3A = arith.constant 0 : i32
      %dma_start3A_58 = tpu.memref_slice %arg6[%add3A_53, %dma_start3A] : memref<10240x128xf32, #tpu.memory_space<vmem_shared>> -> memref<128x128xf32, #tpu.memory_space<vmem_shared>>
      %dma_start3A_59 = arith.constant 0 : i32
      %dma_start3A_60 = tpu.memref_slice %arg6[%add3A_53, %dma_start3A_59] : memref<10240x128xf32, #tpu.memory_space<vmem_shared>> -> memref<128x128xf32, #tpu.memory_space<vmem_shared>>
      tpu.enqueue_dma source(%dma_start3A_60 : memref<128x128xf32, #tpu.memory_space<vmem_shared>>) target(%arg9 : memref<128x128xf32, #tpu.memory_space<vmem>>) target_semaphore(%run_scoped3A : memref<!tpu.dma_semaphore, #tpu.memory_space<semaphore_mem>>)
      %dma_wait3A = arith.constant 0 : i32
      %dma_wait3A_61 = tpu.memref_slice %arg6[%add3A_53, %dma_wait3A] : memref<10240x128xf32, #tpu.memory_space<vmem_shared>> -> memref<128x128xf32, #tpu.memory_space<vmem_shared>>
      %dma_wait3A_62 = arith.constant 0 : i32
      %dma_wait3A_63 = tpu.memref_slice %arg6[%add3A_53, %dma_wait3A_62] : memref<10240x128xf32, #tpu.memory_space<vmem_shared>> -> memref<128x128xf32, #tpu.memory_space<vmem_shared>>
      tpu.wait_dma2 semaphore(%run_scoped3A : memref<!tpu.dma_semaphore, #tpu.memory_space<semaphore_mem>>) src(%dma_wait3A_63 : memref<128x128xf32, #tpu.memory_space<vmem_shared>>) dst(%arg9 : memref<128x128xf32, #tpu.memory_space<vmem>>)
      tpu.yield
    }) : () -> ()
    "tpu.region"() ({
      %run_scoped3A = tpu.sem_alloc : memref<!tpu.dma_semaphore, #tpu.memory_space<semaphore_mem>>
      %dma_start3A = arith.constant 0 : i32
      %dma_start3A_58 = tpu.memref_slice %arg5[%arg0, %add3A_53, %dma_start3A] : memref<2x10240x128xf32, #tpu.memory_space<hbm>> -> memref<1x128x128xf32, #tpu.memory_space<hbm>>
      %dma_start3A_59 = tpu.memref_squeeze %dma_start3A_58 : memref<1x128x128xf32, #tpu.memory_space<hbm>> -> memref<128x128xf32, #tpu.memory_space<hbm>>
      %dma_start3A_60 = arith.constant 0 : i32
      %dma_start3A_61 = tpu.memref_slice %arg5[%arg0, %add3A_53, %dma_start3A_60] : memref<2x10240x128xf32, #tpu.memory_space<hbm>> -> memref<1x128x128xf32, #tpu.memory_space<hbm>>
      %dma_start3A_62 = tpu.memref_squeeze %dma_start3A_61 : memref<1x128x128xf32, #tpu.memory_space<hbm>> -> memref<128x128xf32, #tpu.memory_space<hbm>>
      tpu.enqueue_dma source(%arg9 : memref<128x128xf32, #tpu.memory_space<vmem>>) target(%dma_start3A_62 : memref<128x128xf32, #tpu.memory_space<hbm>>) target_semaphore(%run_scoped3A : memref<!tpu.dma_semaphore, #tpu.memory_space<semaphore_mem>>)
      %dma_wait3A = arith.constant 0 : i32
      %dma_wait3A_63 = tpu.memref_slice %arg5[%arg0, %add3A_53, %dma_wait3A] : memref<2x10240x128xf32, #tpu.memory_space<hbm>> -> memref<1x128x128xf32, #tpu.memory_space<hbm>>
      %dma_wait3A_64 = tpu.memref_squeeze %dma_wait3A_63 : memref<1x128x128xf32, #tpu.memory_space<hbm>> -> memref<128x128xf32, #tpu.memory_space<hbm>>
      %dma_wait3A_65 = arith.constant 0 : i32
      %dma_wait3A_66 = tpu.memref_slice %arg5[%arg0, %add3A_53, %dma_wait3A_65] : memref<2x10240x128xf32, #tpu.memory_space<hbm>> -> memref<1x128x128xf32, #tpu.memory_space<hbm>>
      %dma_wait3A_67 = tpu.memref_squeeze %dma_wait3A_66 : memref<1x128x128xf32, #tpu.memory_space<hbm>> -> memref<128x128xf32, #tpu.memory_space<hbm>>
      tpu.wait_dma2 semaphore(%run_scoped3A : memref<!tpu.dma_semaphore, #tpu.memory_space<semaphore_mem>>) src(%arg9 : memref<128x128xf32, #tpu.memory_space<vmem>>) dst(%dma_wait3A_67 : memref<128x128xf32, #tpu.memory_space<hbm>>)
      tpu.yield
    }) : () -> ()
    %mul3A_54 = arith.constant 640 : i32
    %mul3A_55 = arith.muli %arg1, %mul3A_54 : i32
    %add3A_56 = arith.constant 512 : i32
    %add3A_57 = arith.addi %mul3A_55, %add3A_56 : i32
    "tpu.region"() ({
      %run_scoped3A = tpu.sem_alloc : memref<!tpu.dma_semaphore, #tpu.memory_space<semaphore_mem>>
      %dma_start3A = arith.constant 0 : i32
      %dma_start3A_58 = tpu.memref_slice %arg6[%add3A_57, %dma_start3A] : memref<10240x128xf32, #tpu.memory_space<vmem_shared>> -> memref<128x128xf32, #tpu.memory_space<vmem_shared>>
      %dma_start3A_59 = arith.constant 0 : i32
      %dma_start3A_60 = tpu.memref_slice %arg6[%add3A_57, %dma_start3A_59] : memref<10240x128xf32, #tpu.memory_space<vmem_shared>> -> memref<128x128xf32, #tpu.memory_space<vmem_shared>>
      tpu.enqueue_dma source(%dma_start3A_60 : memref<128x128xf32, #tpu.memory_space<vmem_shared>>) target(%arg9 : memref<128x128xf32, #tpu.memory_space<vmem>>) target_semaphore(%run_scoped3A : memref<!tpu.dma_semaphore, #tpu.memory_space<semaphore_mem>>)
      %dma_wait3A = arith.constant 0 : i32
      %dma_wait3A_61 = tpu.memref_slice %arg6[%add3A_57, %dma_wait3A] : memref<10240x128xf32, #tpu.memory_space<vmem_shared>> -> memref<128x128xf32, #tpu.memory_space<vmem_shared>>
      %dma_wait3A_62 = arith.constant 0 : i32
      %dma_wait3A_63 = tpu.memref_slice %arg6[%add3A_57, %dma_wait3A_62] : memref<10240x128xf32, #tpu.memory_space<vmem_shared>> -> memref<128x128xf32, #tpu.memory_space<vmem_shared>>
      tpu.wait_dma2 semaphore(%run_scoped3A : memref<!tpu.dma_semaphore, #tpu.memory_space<semaphore_mem>>) src(%dma_wait3A_63 : memref<128x128xf32, #tpu.memory_space<vmem_shared>>) dst(%arg9 : memref<128x128xf32, #tpu.memory_space<vmem>>)
      tpu.yield
    }) : () -> ()
    "tpu.region"() ({
      %run_scoped3A = tpu.sem_alloc : memref<!tpu.dma_semaphore, #tpu.memory_space<semaphore_mem>>
      %dma_start3A = arith.constant 0 : i32
      %dma_start3A_58 = tpu.memref_slice %arg5[%arg0, %add3A_57, %dma_start3A] : memref<2x10240x128xf32, #tpu.memory_space<hbm>> -> memref<1x128x128xf32, #tpu.memory_space<hbm>>
      %dma_start3A_59 = tpu.memref_squeeze %dma_start3A_58 : memref<1x128x128xf32, #tpu.memory_space<hbm>> -> memref<128x128xf32, #tpu.memory_space<hbm>>
      %dma_start3A_60 = arith.constant 0 : i32
      %dma_start3A_61 = tpu.memref_slice %arg5[%arg0, %add3A_57, %dma_start3A_60] : memref<2x10240x128xf32, #tpu.memory_space<hbm>> -> memref<1x128x128xf32, #tpu.memory_space<hbm>>
      %dma_start3A_62 = tpu.memref_squeeze %dma_start3A_61 : memref<1x128x128xf32, #tpu.memory_space<hbm>> -> memref<128x128xf32, #tpu.memory_space<hbm>>
      tpu.enqueue_dma source(%arg9 : memref<128x128xf32, #tpu.memory_space<vmem>>) target(%dma_start3A_62 : memref<128x128xf32, #tpu.memory_space<hbm>>) target_semaphore(%run_scoped3A : memref<!tpu.dma_semaphore, #tpu.memory_space<semaphore_mem>>)
      %dma_wait3A = arith.constant 0 : i32
      %dma_wait3A_63 = tpu.memref_slice %arg5[%arg0, %add3A_57, %dma_wait3A] : memref<2x10240x128xf32, #tpu.memory_space<hbm>> -> memref<1x128x128xf32, #tpu.memory_space<hbm>>
      %dma_wait3A_64 = tpu.memref_squeeze %dma_wait3A_63 : memref<1x128x128xf32, #tpu.memory_space<hbm>> -> memref<128x128xf32, #tpu.memory_space<hbm>>
      %dma_wait3A_65 = arith.constant 0 : i32
      %dma_wait3A_66 = tpu.memref_slice %arg5[%arg0, %add3A_57, %dma_wait3A_65] : memref<2x10240x128xf32, #tpu.memory_space<hbm>> -> memref<1x128x128xf32, #tpu.memory_space<hbm>>
      %dma_wait3A_67 = tpu.memref_squeeze %dma_wait3A_66 : memref<1x128x128xf32, #tpu.memory_space<hbm>> -> memref<128x128xf32, #tpu.memory_space<hbm>>
      tpu.wait_dma2 semaphore(%run_scoped3A : memref<!tpu.dma_semaphore, #tpu.memory_space<semaphore_mem>>) src(%arg9 : memref<128x128xf32, #tpu.memory_space<vmem>>) dst(%dma_wait3A_67 : memref<128x128xf32, #tpu.memory_space<hbm>>)
      tpu.yield
    }) : () -> ()
    return
  }
}

module attributes {stable_mosaic.version = 14 : i64} {
  func.func @_pre_body(%arg0: i32, %arg1: memref<2000x128xf32, #tpu.memory_space<vmem>>, %arg2: memref<128x128xf32, #tpu.memory_space<vmem>>, %arg3: memref<128x128xf32, #tpu.memory_space<vmem>>, %arg4: memref<1x128xf32, #tpu.memory_space<vmem>>, %arg5: memref<2000x128xf32, #tpu.memory_space<vmem>>, %arg6: memref<2000x128xf32, #tpu.memory_space<vmem>>) attributes {dimension_semantics = [#tpu.dimension_semantics<arbitrary>], iteration_bounds = array<i64: 5>, scalar_prefetch = 0 : i64, scratch_operands = 0 : i64, tpu.core_type = #tpu.core_type<tc>, window_params = [{transform_indices = @transform_0, window_bounds = array<i64: 2000, 128>}, {pipeline_mode = #tpu.pipeline_mode<synchronous>, transform_indices = @transform_1, window_bounds = array<i64: 128, 128>}, {pipeline_mode = #tpu.pipeline_mode<synchronous>, transform_indices = @transform_2, window_bounds = array<i64: 128, 128>}, {pipeline_mode = #tpu.pipeline_mode<synchronous>, transform_indices = @transform_3, window_bounds = array<i64: 1, 128>}, {transform_indices = @transform_4, window_bounds = array<i64: 2000, 128>}, {transform_indices = @transform_5, window_bounds = array<i64: 2000, 128>}]} {
    %get3A = arith.constant 0 : index
    %get3A_0 = arith.constant 0 : index
    %get3A_1 = vector.load %arg1[%get3A, %get3A_0] : memref<2000x128xf32, #tpu.memory_space<vmem>>, vector<2000x128xf32>
    %get3A_2 = arith.constant 0 : index
    %get3A_3 = arith.constant 0 : index
    %get3A_4 = vector.load %arg2[%get3A_2, %get3A_3] : memref<128x128xf32, #tpu.memory_space<vmem>>, vector<128x128xf32>
    %dot_general3A = arith.constant dense<0.000000e+00> : vector<2000x128xf32>
    %dot_general3A_5 = tpu.matmul %get3A_1, %get3A_4, %dot_general3A {dimension_numbers = #tpu.dot_dimension_numbers<[1], [0], [0], [1], [0, 0, 1, 1], [], []>, transpose_lhs_hint = false} : vector<2000x128xf32>, vector<128x128xf32>, vector<2000x128xf32> -> vector<2000x128xf32>
    %get3A_6 = arith.constant 0 : index
    %get3A_7 = arith.constant 0 : index
    %get3A_8 = vector.load %arg4[%get3A_6, %get3A_7] : memref<1x128xf32, #tpu.memory_space<vmem>>, vector<1x128xf32>
    %add3A = vector.broadcast %get3A_8 : vector<1x128xf32> to vector<2000x128xf32>
    %add3A_9 = arith.addf %dot_general3A_5, %add3A : vector<2000x128xf32>
    %swap3A = arith.constant 0 : index
    %swap3A_10 = arith.constant 0 : index
    %swap3A_11 = vector.load %arg5[%swap3A, %swap3A_10] : memref<2000x128xf32, #tpu.memory_space<vmem>>, vector<2000x128xf32>
    tpu.vector_store %arg5[%swap3A, %swap3A_10], %add3A_9 {strides = array<i32>} : memref<2000x128xf32, #tpu.memory_space<vmem>>, vector<2000x128xf32>,
    %get3A_12 = arith.constant 0 : index
    %get3A_13 = arith.constant 0 : index
    %get3A_14 = vector.load %arg3[%get3A_12, %get3A_13] : memref<128x128xf32, #tpu.memory_space<vmem>>, vector<128x128xf32>
    %dot_general3A_15 = arith.constant dense<0.000000e+00> : vector<2000x128xf32>
    %dot_general3A_16 = tpu.matmul %get3A_1, %get3A_14, %dot_general3A_15 {dimension_numbers = #tpu.dot_dimension_numbers<[1], [0], [0], [1], [0, 0, 1, 1], [], []>, transpose_lhs_hint = false} : vector<2000x128xf32>, vector<128x128xf32>, vector<2000x128xf32> -> vector<2000x128xf32>
    %swap3A_17 = arith.constant 0 : index
    %swap3A_18 = arith.constant 0 : index
    %swap3A_19 = vector.load %arg6[%swap3A_17, %swap3A_18] : memref<2000x128xf32, #tpu.memory_space<vmem>>, vector<2000x128xf32>
    tpu.vector_store %arg6[%swap3A_17, %swap3A_18], %dot_general3A_16 {strides = array<i32>} : memref<2000x128xf32, #tpu.memory_space<vmem>>, vector<2000x128xf32>,
    return
  }
  func.func @transform_0(%arg0: i32) -> (i32, i32) {
    %c0_i32 = arith.constant 0 : i32
    %c0_i32_0 = arith.constant 0 : i32
    return %arg0, %c0_i32 : i32, i32
  }
  func.func @transform_1(%arg0: i32) -> (i32, i32) {
    %c0_i32 = arith.constant 0 : i32
    %c0_i32_0 = arith.constant 0 : i32
    %c0_i32_1 = arith.constant 0 : i32
    return %c0_i32, %c0_i32_0 : i32, i32
  }
  func.func @transform_2(%arg0: i32) -> (i32, i32) {
    %c0_i32 = arith.constant 0 : i32
    %c0_i32_0 = arith.constant 0 : i32
    %c0_i32_1 = arith.constant 0 : i32
    return %c0_i32, %c0_i32_0 : i32, i32
  }
  func.func @transform_3(%arg0: i32) -> (i32, i32) {
    %c0_i32 = arith.constant 0 : i32
    %c0_i32_0 = arith.constant 0 : i32
    %c0_i32_1 = arith.constant 0 : i32
    return %c0_i32, %c0_i32_0 : i32, i32
  }
  func.func @transform_4(%arg0: i32) -> (i32, i32) {
    %c0_i32 = arith.constant 0 : i32
    %c0_i32_0 = arith.constant 0 : i32
    return %arg0, %c0_i32 : i32, i32
  }
  func.func @transform_5(%arg0: i32) -> (i32, i32) {
    %c0_i32 = arith.constant 0 : i32
    %c0_i32_0 = arith.constant 0 : i32
    return %arg0, %c0_i32 : i32, i32
  }
}

module attributes {stable_mosaic.version = 14 : i64} {
  func.func @_edge_body(%arg0: i32, %arg1: memref<2560x128xf32, #tpu.memory_space<vmem>>, %arg2: memref<2560x128xf32, #tpu.memory_space<vmem>>, %arg3: memref<2560x1xf32, #tpu.memory_space<vmem>>, %arg4: memref<1x128xf32, #tpu.memory_space<vmem>>, %arg5: memref<128x128xf32, #tpu.memory_space<vmem>>, %arg6: memref<1x128xf32, #tpu.memory_space<vmem>>, %arg7: memref<2560x128xf32, #tpu.memory_space<vmem>>) attributes {dimension_semantics = [#tpu.dimension_semantics<arbitrary>], iteration_bounds = array<i64: 125>, scalar_prefetch = 0 : i64, scratch_operands = 0 : i64, tpu.core_type = #tpu.core_type<tc>, window_params = [{transform_indices = @transform_0, window_bounds = array<i64: 2560, 128>}, {transform_indices = @transform_1, window_bounds = array<i64: 2560, 128>}, {transform_indices = @transform_2, window_bounds = array<i64: 2560, 1>}, {pipeline_mode = #tpu.pipeline_mode<synchronous>, transform_indices = @transform_3, window_bounds = array<i64: 1, 128>}, {pipeline_mode = #tpu.pipeline_mode<synchronous>, transform_indices = @transform_4, window_bounds = array<i64: 128, 128>}, {pipeline_mode = #tpu.pipeline_mode<synchronous>, transform_indices = @transform_5, window_bounds = array<i64: 1, 128>}, {transform_indices = @transform_6, window_bounds = array<i64: 2560, 128>}]} {
    %get3A = arith.constant 0 : index
    %get3A_0 = arith.constant 0 : index
    %get3A_1 = vector.load %arg1[%get3A, %get3A_0] : memref<2560x128xf32, #tpu.memory_space<vmem>>, vector<2560x128xf32>
    %get3A_2 = arith.constant 0 : index
    %get3A_3 = arith.constant 0 : index
    %get3A_4 = vector.load %arg2[%get3A_2, %get3A_3] : memref<2560x128xf32, #tpu.memory_space<vmem>>, vector<2560x128xf32>
    %add3A = arith.addf %get3A_1, %get3A_4 : vector<2560x128xf32>
    %get3A_5 = arith.constant 0 : index
    %get3A_6 = arith.constant 0 : index
    %get3A_7 = vector.load %arg3[%get3A_5, %get3A_6] : memref<2560x1xf32, #tpu.memory_space<vmem>>, vector<2560x1xf32>
    %get3A_8 = arith.constant 0 : index
    %get3A_9 = arith.constant 0 : index
    %get3A_10 = vector.load %arg4[%get3A_8, %get3A_9] : memref<1x128xf32, #tpu.memory_space<vmem>>, vector<1x128xf32>
    %mul3A = vector.broadcast %get3A_7 : vector<2560x1xf32> to vector<2560x128xf32>
    %mul3A_11 = vector.broadcast %get3A_10 : vector<1x128xf32> to vector<2560x128xf32>
    %mul3A_12 = arith.mulf %mul3A, %mul3A_11 : vector<2560x128xf32>
    %add3A_13 = arith.addf %add3A, %mul3A_12 : vector<2560x128xf32>
    %logistic3A = arith.negf %add3A_13 : vector<2560x128xf32>
    %logistic3A_14 = math.exp %logistic3A : vector<2560x128xf32>
    %logistic3A_15 = arith.constant 1.000000e+00 : f32
    %logistic3A_16 = vector.broadcast %logistic3A_15 : f32 to vector<2560x128xf32>
    %logistic3A_17 = arith.addf %logistic3A_16, %logistic3A_14 : vector<2560x128xf32>
    %logistic3A_18 = arith.divf %logistic3A_16, %logistic3A_17 : vector<2560x128xf32>
    %mul3A_19 = arith.mulf %add3A_13, %logistic3A_18 : vector<2560x128xf32>
    %get3A_20 = arith.constant 0 : index
    %get3A_21 = arith.constant 0 : index
    %get3A_22 = vector.load %arg5[%get3A_20, %get3A_21] : memref<128x128xf32, #tpu.memory_space<vmem>>, vector<128x128xf32>
    %dot_general3A = arith.constant dense<0.000000e+00> : vector<2560x128xf32>
    %dot_general3A_23 = tpu.matmul %mul3A_19, %get3A_22, %dot_general3A {dimension_numbers = #tpu.dot_dimension_numbers<[1], [0], [0], [1], [0, 0, 1, 1], [], []>, transpose_lhs_hint = false} : vector<2560x128xf32>, vector<128x128xf32>, vector<2560x128xf32> -> vector<2560x128xf32>
    %get3A_24 = arith.constant 0 : index
    %get3A_25 = arith.constant 0 : index
    %get3A_26 = vector.load %arg6[%get3A_24, %get3A_25] : memref<1x128xf32, #tpu.memory_space<vmem>>, vector<1x128xf32>
    %add3A_27 = vector.broadcast %get3A_26 : vector<1x128xf32> to vector<2560x128xf32>
    %add3A_28 = arith.addf %dot_general3A_23, %add3A_27 : vector<2560x128xf32>
    %logistic3A_29 = arith.negf %add3A_28 : vector<2560x128xf32>
    %logistic3A_30 = math.exp %logistic3A_29 : vector<2560x128xf32>
    %logistic3A_31 = arith.constant 1.000000e+00 : f32
    %logistic3A_32 = vector.broadcast %logistic3A_31 : f32 to vector<2560x128xf32>
    %logistic3A_33 = arith.addf %logistic3A_32, %logistic3A_30 : vector<2560x128xf32>
    %logistic3A_34 = arith.divf %logistic3A_32, %logistic3A_33 : vector<2560x128xf32>
    %mul3A_35 = arith.mulf %add3A_28, %logistic3A_34 : vector<2560x128xf32>
    %swap3A = arith.constant 0 : index
    %swap3A_36 = arith.constant 0 : index
    %swap3A_37 = vector.load %arg7[%swap3A, %swap3A_36] : memref<2560x128xf32, #tpu.memory_space<vmem>>, vector<2560x128xf32>
    tpu.vector_store %arg7[%swap3A, %swap3A_36], %mul3A_35 {strides = array<i32>} : memref<2560x128xf32, #tpu.memory_space<vmem>>, vector<2560x128xf32>,
    return
  }
  func.func @transform_0(%arg0: i32) -> (i32, i32) {
    %c0_i32 = arith.constant 0 : i32
    %c0_i32_0 = arith.constant 0 : i32
    return %arg0, %c0_i32 : i32, i32
  }
  func.func @transform_1(%arg0: i32) -> (i32, i32) {
    %c0_i32 = arith.constant 0 : i32
    %c0_i32_0 = arith.constant 0 : i32
    return %arg0, %c0_i32 : i32, i32
  }
  func.func @transform_2(%arg0: i32) -> (i32, i32) {
    %c0_i32 = arith.constant 0 : i32
    %c0_i32_0 = arith.constant 0 : i32
    return %arg0, %c0_i32 : i32, i32
  }
  func.func @transform_3(%arg0: i32) -> (i32, i32) {
    %c0_i32 = arith.constant 0 : i32
    %c0_i32_0 = arith.constant 0 : i32
    %c0_i32_1 = arith.constant 0 : i32
    return %c0_i32, %c0_i32_0 : i32, i32
  }
  func.func @transform_4(%arg0: i32) -> (i32, i32) {
    %c0_i32 = arith.constant 0 : i32
    %c0_i32_0 = arith.constant 0 : i32
    %c0_i32_1 = arith.constant 0 : i32
    return %c0_i32, %c0_i32_0 : i32, i32
  }
  func.func @transform_5(%arg0: i32) -> (i32, i32) {
    %c0_i32 = arith.constant 0 : i32
    %c0_i32_0 = arith.constant 0 : i32
    %c0_i32_1 = arith.constant 0 : i32
    return %c0_i32, %c0_i32_0 : i32, i32
  }
  func.func @transform_6(%arg0: i32) -> (i32, i32) {
    %c0_i32 = arith.constant 0 : i32
    %c0_i32_0 = arith.constant 0 : i32
    return %arg0, %c0_i32 : i32, i32
  }
}

module attributes {stable_mosaic.version = 14 : i64} {
  func.func @_node_body(%arg0: i32, %arg1: memref<2000x128xf32, #tpu.memory_space<vmem>>, %arg2: memref<2000x128xf32, #tpu.memory_space<vmem>>, %arg3: memref<2000x128xf32, #tpu.memory_space<vmem>>, %arg4: memref<128x128xf32, #tpu.memory_space<vmem>>, %arg5: memref<128x128xf32, #tpu.memory_space<vmem>>, %arg6: memref<1x128xf32, #tpu.memory_space<vmem>>, %arg7: memref<128x128xf32, #tpu.memory_space<vmem>>, %arg8: memref<1x128xf32, #tpu.memory_space<vmem>>, %arg9: memref<2000x128xf32, #tpu.memory_space<vmem>>) attributes {dimension_semantics = [#tpu.dimension_semantics<arbitrary>], iteration_bounds = array<i64: 5>, scalar_prefetch = 0 : i64, scratch_operands = 0 : i64, tpu.core_type = #tpu.core_type<tc>, window_params = [{transform_indices = @transform_0, window_bounds = array<i64: 2000, 128>}, {transform_indices = @transform_1, window_bounds = array<i64: 2000, 128>}, {transform_indices = @transform_2, window_bounds = array<i64: 2000, 128>}, {pipeline_mode = #tpu.pipeline_mode<synchronous>, transform_indices = @transform_3, window_bounds = array<i64: 128, 128>}, {pipeline_mode = #tpu.pipeline_mode<synchronous>, transform_indices = @transform_4, window_bounds = array<i64: 128, 128>}, {pipeline_mode = #tpu.pipeline_mode<synchronous>, transform_indices = @transform_5, window_bounds = array<i64: 1, 128>}, {pipeline_mode = #tpu.pipeline_mode<synchronous>, transform_indices = @transform_6, window_bounds = array<i64: 128, 128>}, {pipeline_mode = #tpu.pipeline_mode<synchronous>, transform_indices = @transform_7, window_bounds = array<i64: 1, 128>}, {transform_indices = @transform_8, window_bounds = array<i64: 2000, 128>}]} {
    %get3A = arith.constant 0 : index
    %get3A_0 = arith.constant 0 : index
    %get3A_1 = vector.load %arg1[%get3A, %get3A_0] : memref<2000x128xf32, #tpu.memory_space<vmem>>, vector<2000x128xf32>
    %get3A_2 = arith.constant 0 : index
    %get3A_3 = arith.constant 0 : index
    %get3A_4 = vector.load %arg2[%get3A_2, %get3A_3] : memref<2000x128xf32, #tpu.memory_space<vmem>>, vector<2000x128xf32>
    %get3A_5 = arith.constant 0 : index
    %get3A_6 = arith.constant 0 : index
    %get3A_7 = vector.load %arg3[%get3A_5, %get3A_6] : memref<2000x128xf32, #tpu.memory_space<vmem>>, vector<2000x128xf32>
    %add3A = arith.addf %get3A_4, %get3A_7 : vector<2000x128xf32>
    %get3A_8 = arith.constant 0 : index
    %get3A_9 = arith.constant 0 : index
    %get3A_10 = vector.load %arg4[%get3A_8, %get3A_9] : memref<128x128xf32, #tpu.memory_space<vmem>>, vector<128x128xf32>
    %dot_general3A = arith.constant dense<0.000000e+00> : vector<2000x128xf32>
    %dot_general3A_11 = tpu.matmul %get3A_1, %get3A_10, %dot_general3A {dimension_numbers = #tpu.dot_dimension_numbers<[1], [0], [0], [1], [0, 0, 1, 1], [], []>, transpose_lhs_hint = false} : vector<2000x128xf32>, vector<128x128xf32>, vector<2000x128xf32> -> vector<2000x128xf32>
    %get3A_12 = arith.constant 0 : index
    %get3A_13 = arith.constant 0 : index
    %get3A_14 = vector.load %arg5[%get3A_12, %get3A_13] : memref<128x128xf32, #tpu.memory_space<vmem>>, vector<128x128xf32>
    %dot_general3A_15 = arith.constant dense<0.000000e+00> : vector<2000x128xf32>
    %dot_general3A_16 = tpu.matmul %add3A, %get3A_14, %dot_general3A_15 {dimension_numbers = #tpu.dot_dimension_numbers<[1], [0], [0], [1], [0, 0, 1, 1], [], []>, transpose_lhs_hint = false} : vector<2000x128xf32>, vector<128x128xf32>, vector<2000x128xf32> -> vector<2000x128xf32>
    %add3A_17 = arith.addf %dot_general3A_11, %dot_general3A_16 : vector<2000x128xf32>
    %get3A_18 = arith.constant 0 : index
    %get3A_19 = arith.constant 0 : index
    %get3A_20 = vector.load %arg6[%get3A_18, %get3A_19] : memref<1x128xf32, #tpu.memory_space<vmem>>, vector<1x128xf32>
    %add3A_21 = vector.broadcast %get3A_20 : vector<1x128xf32> to vector<2000x128xf32>
    %add3A_22 = arith.addf %add3A_17, %add3A_21 : vector<2000x128xf32>
    %logistic3A = arith.negf %add3A_22 : vector<2000x128xf32>
    %logistic3A_23 = math.exp %logistic3A : vector<2000x128xf32>
    %logistic3A_24 = arith.constant 1.000000e+00 : f32
    %logistic3A_25 = vector.broadcast %logistic3A_24 : f32 to vector<2000x128xf32>
    %logistic3A_26 = arith.addf %logistic3A_25, %logistic3A_23 : vector<2000x128xf32>
    %logistic3A_27 = arith.divf %logistic3A_25, %logistic3A_26 : vector<2000x128xf32>
    %mul3A = arith.mulf %add3A_22, %logistic3A_27 : vector<2000x128xf32>
    %get3A_28 = arith.constant 0 : index
    %get3A_29 = arith.constant 0 : index
    %get3A_30 = vector.load %arg7[%get3A_28, %get3A_29] : memref<128x128xf32, #tpu.memory_space<vmem>>, vector<128x128xf32>
    %dot_general3A_31 = arith.constant dense<0.000000e+00> : vector<2000x128xf32>
    %dot_general3A_32 = tpu.matmul %mul3A, %get3A_30, %dot_general3A_31 {dimension_numbers = #tpu.dot_dimension_numbers<[1], [0], [0], [1], [0, 0, 1, 1], [], []>, transpose_lhs_hint = false} : vector<2000x128xf32>, vector<128x128xf32>, vector<2000x128xf32> -> vector<2000x128xf32>
    %add3A_33 = arith.addf %get3A_1, %dot_general3A_32 : vector<2000x128xf32>
    %get3A_34 = arith.constant 0 : index
    %get3A_35 = arith.constant 0 : index
    %get3A_36 = vector.load %arg8[%get3A_34, %get3A_35] : memref<1x128xf32, #tpu.memory_space<vmem>>, vector<1x128xf32>
    %add3A_37 = vector.broadcast %get3A_36 : vector<1x128xf32> to vector<2000x128xf32>
    %add3A_38 = arith.addf %add3A_33, %add3A_37 : vector<2000x128xf32>
    %swap3A = arith.constant 0 : index
    %swap3A_39 = arith.constant 0 : index
    %swap3A_40 = vector.load %arg9[%swap3A, %swap3A_39] : memref<2000x128xf32, #tpu.memory_space<vmem>>, vector<2000x128xf32>
    tpu.vector_store %arg9[%swap3A, %swap3A_39], %add3A_38 {strides = array<i32>} : memref<2000x128xf32, #tpu.memory_space<vmem>>, vector<2000x128xf32>,
    return
  }
  func.func @transform_0(%arg0: i32) -> (i32, i32) {
    %c0_i32 = arith.constant 0 : i32
    %c0_i32_0 = arith.constant 0 : i32
    return %arg0, %c0_i32 : i32, i32
  }
  func.func @transform_1(%arg0: i32) -> (i32, i32) {
    %c0_i32 = arith.constant 0 : i32
    %c0_i32_0 = arith.constant 0 : i32
    return %arg0, %c0_i32 : i32, i32
  }
  func.func @transform_2(%arg0: i32) -> (i32, i32) {
    %c0_i32 = arith.constant 0 : i32
    %c0_i32_0 = arith.constant 0 : i32
    return %arg0, %c0_i32 : i32, i32
  }
  func.func @transform_3(%arg0: i32) -> (i32, i32) {
    %c0_i32 = arith.constant 0 : i32
    %c0_i32_0 = arith.constant 0 : i32
    %c0_i32_1 = arith.constant 0 : i32
    return %c0_i32, %c0_i32_0 : i32, i32
  }
  func.func @transform_4(%arg0: i32) -> (i32, i32) {
    %c0_i32 = arith.constant 0 : i32
    %c0_i32_0 = arith.constant 0 : i32
    %c0_i32_1 = arith.constant 0 : i32
    return %c0_i32, %c0_i32_0 : i32, i32
  }
  func.func @transform_5(%arg0: i32) -> (i32, i32) {
    %c0_i32 = arith.constant 0 : i32
    %c0_i32_0 = arith.constant 0 : i32
    %c0_i32_1 = arith.constant 0 : i32
    return %c0_i32, %c0_i32_0 : i32, i32
  }
  func.func @transform_6(%arg0: i32) -> (i32, i32) {
    %c0_i32 = arith.constant 0 : i32
    %c0_i32_0 = arith.constant 0 : i32
    %c0_i32_1 = arith.constant 0 : i32
    return %c0_i32, %c0_i32_0 : i32, i32
  }
  func.func @transform_7(%arg0: i32) -> (i32, i32) {
    %c0_i32 = arith.constant 0 : i32
    %c0_i32_0 = arith.constant 0 : i32
    %c0_i32_1 = arith.constant 0 : i32
    return %c0_i32, %c0_i32_0 : i32, i32
  }
  func.func @transform_8(%arg0: i32) -> (i32, i32) {
    %c0_i32 = arith.constant 0 : i32
    %c0_i32_0 = arith.constant 0 : i32
    return %arg0, %c0_i32 : i32, i32
  }
}

</mosaic_0001>

<sc_bundles>
// kernel: kernel.10.cloned.1.call-start
scs
__scs_entry_jumppad:
0x0: {  	(pc) =	sbr.rel $0x88, $3  }
0x1: {  	(tag) =	ssettag $0x0;
	lr =	simm.s32 $0x1  }
0x2: {  	[smem:$0x3F96] =	sst lr;
	_ =	strace $0xD0000000  }
0x3: {  	_ = 	snop  }
0x4: {  	_ = 	snop  }
0x5: {  	_ = 	snop  }
0x6: {  	_ = 	snop  }
0x7: {  	_ = 	snop  }
__scs_overlays_trampoline_lowered:
0x8: {  	[smem:$0x3FA5] =	sst s0  }
0x9: {  	[smem:$0x3FA6] =	sst s1  }
0xa: {  	[smem:$0x3FA7] =	sst s2  }
0xb: {  	[smem:$0x3FA8] =	sst s3  }
0xc: {  	[smem:$0x3FA9] =	sst s4  }
0xd: {  	[smem:$0x3FAA] =	sst s5  }
0xe: {  	[smem:$0x3FAB] =	sst s6  }
0xf: {  	[smem:$0x3FAC] =	sst s7  }
0x10: {  	[smem:$0x3FAD] =	sst s8  }
0x11: {  	[smem:$0x3FAE] =	sst s9;
	s0 =	simm.s32 @!p0 $0x0  }
0x12: {  	s1 =	sld [smem:$0x3F94];
	s0 =	simm.s32 @p0 $0x1  }
0x13: {  	[smem:$0x3FAF] =	sst s0;
	s0 =	simm.s32 @!p1 $0x0  }
0x14: {  	s2 =	sld [smem:$0x3F93];
	s0 =	simm.s32 @p1 $0x1  }
0x15: {  	[smem:$0x3FB0] =	sst s0;
	s0 =	simm.s32 @!p2 $0x0  }
0x16: {  	s3 =	sld [smem:$0x3FDB];
	s0 =	simm.s32 @p2 $0x1  }
0x17: {  	s4 =	simm.s32 $0x1BF5;
	[smem:$0x3FB2] =	sst s0  }
0x18: {  	s0 =	sld [smem:$0x3F95];
	_ =	swait.ge [sflag:s4], $0x0  }
0x19: {  	s7 =	sld [smem:$0x3F96]  }
0x1a: {  	s8 =	sadd.s32 $0xFFFFE003, lr  }
0x1b: {  	s9 =	sadd.s32 $0xFFFFFEF7, lr;
	s5 =	simm.s32 $0xFFFFFFFF;
	p2 =	slt.u32 s8, $0xFFFFF086  }
0x1c: {  	p1 =	slt.u32 s9, $0xF7A;
	s5 =	simm.s32 @!p2 $0x0  }
0x1d: {  	s5 =	simm.s32 @p1 $0x1;
	p0 =	seq.s32 s7, s2  }
0x1e: {  	s7 =	smul.u32 @!p0 $0xF7A, s2;
	p2 =	seq.s32 @!p0 s5, $0x0  }
0x1f: {  	s9 =	smul.u32 $0xF7A, s1;
	s8 =	simm.s32 @!p0 $0x1BF5;
	p2 =	por !p2, p0  }
0x20: {  	[sflag:s8] =	ssyncset.s32 @!p0 $0xFFFFF086;
	s6 =	sadd.s32 @!p0 s3, s7;
	s7 =	simm.s32 @!p0 $0x108  }
0x21: {  	s3 =	sadd.s32 s3, s9;
	s6 =	sadd.s32 @!p0 $0x88, s6;
	s7 =	simm.s32 @p2 $0x1082  }
0x22: {  	[simem:s7], [sflag:s8] =	dma.local @!p0 [hbm:s6], $0xF7A  }
0x23: {  	s9 =	sor.u32 $0xD0000000, s2;
	s6 =	simm.s32 $0x108;
	_ =	swait.ge @!p0 [sflag:s8], $0x0  }
0x24: {  	s3 =	sadd.s32 $0x88, s3;
	s6 =	simm.s32 @!p1 $0x1082;
	[sflag:s4] =	ssyncset.s32 $0xFFFFF086  }
0x25: {  	[simem:s6], [sflag:s4] =	dma.local [hbm:s3], $0xF7A  }
0x26: {  	[smem:$0x3F96] =	sst s1;
	(tag) =	ssettag s2;
	_ =	strace s9  }
0x27: {  	s1 =	sld [smem:$0x3FA6]  }
0x28: {  	s2 =	sld [smem:$0x3FA7]  }
0x29: {  	s4 =	sld [smem:$0x3FA9]  }
0x2a: {  	p0 =	seq.s32 s5, $0x0;
	s5 =	sld [smem:$0x3FAA]  }
0x2b: {  	s6 =	sld [smem:$0x3FAB]  }
0x2c: {  	s7 =	sld [smem:$0x3FAC]  }
0x2d: {  	s3 =	simm.s32 $0x108;
	s8 =	sld [smem:$0x3FAD]  }
0x2e: {  	s3 =	simm.s32 @!p0 $0x1082;
	s9 =	sld [smem:$0x3FAE]  }
0x2f: {  	lr =	sadd.s32 s0, s3;
	s0 =	sld [smem:$0x3FA5]  }
0x30: {  	s3 =	sld [smem:$0x3FA8]  }
0x31: {  	[smem:$0x3FB1] =	sst s10  }
0x32: {  	s10 =	sld [smem:$0x3FAF];
	_ =	sdelay $0x3  }
0x33: {  	p0 =	seq.s32 s10, $0x1;
	s10 =	sld [smem:$0x3FB1];
	_ =	sdelay $0x3  }
0x34: {  	[smem:$0x3FB1] =	sst s10  }
0x35: {  	s10 =	sld [smem:$0x3FB0];
	_ =	sdelay $0x3  }
0x36: {  	p1 =	seq.s32 s10, $0x1;
	s10 =	sld [smem:$0x3FB1];
	_ =	sdelay $0x3  }
0x37: {  	[smem:$0x3FB1] =	sst s10  }
0x38: {  	s10 =	sld [smem:$0x3FB2]  }
0x39: {  	_ = 	snop;
	(pc) =	sbr.ind lr, $3  }
0x3a: {  	_ = 	snop  }
0x3b: {  	_ = 	snop  }
0x3c: {  	p2 =	seq.s32 s10, $0x1;
	s10 =	sld [smem:$0x3FB1]  }
0x3d: {  	_ =	shalt  }
0x3e: {  	_ =	shalt  }
0x3f: {  	_ =	shalt  }
0x40: {  	_ =	shalt  }
0x41: {  	_ =	shalt  }
0x42: {  	_ =	shalt  }
0x43: {  	_ =	shalt  }
0x44: {  	_ =	shalt  }
0x45: {  	_ =	shalt  }
0x46: {  	_ =	shalt  }
0x47: {  	_ =	shalt  }
0x48: {  	_ =	shalt  }
0x49: {  	_ =	shalt  }
0x4a: {  	_ =	shalt  }
0x4b: {  	_ =	shalt  }
0x4c: {  	_ =	shalt  }
0x4d: {  	_ =	shalt  }
0x4e: {  	_ =	shalt  }
0x4f: {  	_ =	shalt  }
0x50: {  	_ =	shalt  }
0x51: {  	_ =	shalt  }
0x52: {  	_ =	shalt  }
0x53: {  	_ =	shalt  }
0x54: {  	_ =	shalt  }
0x55: {  	_ =	shalt  }
0x56: {  	_ =	shalt  }
0x57: {  	_ =	shalt  }
0x58: {  	_ =	shalt  }
0x59: {  	_ =	shalt  }
0x5a: {  	_ =	shalt  }
0x5b: {  	_ =	shalt  }
0x5c: {  	_ =	shalt  }
0x5d: {  	_ =	shalt  }
0x5e: {  	_ =	shalt  }
0x5f: {  	_ =	shalt  }
0x60: {  	_ =	shalt  }
0x61: {  	_ =	shalt  }
0x62: {  	_ =	shalt  }
0x63: {  	_ =	shalt  }
0x64: {  	_ =	shalt  }
0x65: {  	_ =	shalt  }
0x66: {  	_ =	shalt  }
0x67: {  	_ =	shalt  }
0x68: {  	_ =	shalt  }
0x69: {  	_ =	shalt  }
0x6a: {  	_ =	shalt  }
0x6b: {  	_ =	shalt  }
0x6c: {  	_ =	shalt  }
0x6d: {  	_ =	shalt  }
0x6e: {  	_ =	shalt  }
0x6f: {  	_ =	shalt  }
0x70: {  	_ =	shalt  }
0x71: {  	_ =	shalt  }
0x72: {  	_ =	shalt  }
0x73: {  	_ =	shalt  }
0x74: {  	_ =	shalt  }
0x75: {  	_ =	shalt  }
0x76: {  	_ =	shalt  }
0x77: {  	_ =	shalt  }
0x78: {  	_ =	shalt  }
0x79: {  	_ =	shalt  }
0x7a: {  	_ =	shalt  }
0x7b: {  	_ =	shalt  }
0x7c: {  	_ =	shalt  }
0x7d: {  	_ =	shalt  }
0x7e: {  	_ =	shalt  }
0x7f: {  	_ =	shalt  }
0x80: {  	_ =	shalt  }
0x81: {  	_ =	shalt  }
0x82: {  	_ =	shalt  }
0x83: {  	_ =	shalt  }
0x84: {  	_ =	shalt  }
0x85: {  	_ =	shalt  }
0x86: {  	_ =	shalt  }
0x87: {  	_ =	shalt  }
.Lfunc_end0:
.L_simem_size_0:
called_computation.1_lowered:
.L_overlay_start_0:
0x88: {  	s2 =	sld [smem:$0x3FD9]  }
0x89: {  	s3 =	sld [smem:$0x3FFE];
	_ =	sdelay $0x1  }
0x8a: {  	s1 =	srdreg.scid  }
0x8b: {  	s0 =	sand.u32 $0x1, s1  }
0x8c: {  	s17 =	sshll.u32 s0, $0xA;
	s2 =	sadd.s32 s3, s2  }
0x8d: {  	s2 =	sadd.s32 s2, s17  }
0x8e: {  	[smem:$0x3FBD] =	sst s2  }
0x8f: {  	_ = 	snop  }
0x90: {  	s2 =	sld [smem:$0x3FD0];
	(tm) =	ssettm $0x1  }
0x91: {  	s18 =	sld [smem:$0x3FFB];
	_ =	sdelay $0x3  }
0x92: {  	_ =	strace s18  }
0x93: {  	s3 =	sld [smem:$0x3FFC];
	_ =	sdelay $0x3  }
0x94: {  	_ =	strace s3  }
0x95: {  	s3 =	sld [smem:$0x3FFD];
	_ =	sdelay $0x3  }
0x96: {  	_ =	strace s3  }
0x97: {  	_ =	strace $0x8FFFFFFF  }
0x98: {  	s19 =	sld [smem:$0x3FDB];
	_ =	sdelay $0x1  }
0x99: {  	s4 =	simm.s32 $_scs_section_size  }
0x9a: {  	s5 =	simm.s32 $_size__tile_overlayer_lowered;
	s6 =	simm.s32 $_tile_overlayer_lowered  }
0x9b: {  	s22 =	simm.s32 $0x1BFF;
	s21 =	sshll.u32 s6, $0x1;
	s3 =	sadd.s32 s4, s19  }
0x9c: {  	s7 =	simm.s32 $0x0;
	s20 =	sshll.u32 s5, $0x1;
	s5 =	sadd.s32 s21, s3  }
0x9d: {  	[timem:s7], [sflag:s22] =	dma.local [hbm:s5], s20  }
0x9e: {  	_ =	swait.ge [sflag:s22], s20  }
0x9f: {  	s4 =	ssub.s32 $0x0, s20;
	[sflag:s22] =	ssyncset.done $0x0  }
0xa0: {  	[sflag:s22] =	ssyncadd.s32 s4;
	_ =	sdelay $0x1  }
0xa1: {  	s23 =	simm.s32 $0x1B8B  }
0xa2: {  	_ =	swait.ge [sflag:s23], $0x1  }
0xa3: {  	[sflag:s23] =	ssyncset.done $0x0  }
0xa4: {  	s25 =	simm.s32 $0x1B8E;
	s24 =	sld [smem:$0x3FFE];
	[sflag:s23] =	ssyncadd.s32 $0xFFFFFFFF  }
0xa5: {  	s26 =	simm.s32 $execute0_lowered;
	[smem:$0x3FD2] =	sst s25  }
0xa6: {  	s5 =	sshll.u32 s26, $0x1;
	_ =	strace $0x80000049;
	[dreg:$0x1] =	wrdreg $0xFFFFFFFF  }
0xa7: {  	s28 =	simm.s32 $_size_execute0_lowered;
	s3 =	sadd.s32 s3, s5;
	[dreg:$0x0] =	wrdreg $0x0  }
0xa8: {  	s5 =	sshll.u32 s28, $0x1;
	[dreg:$0x2] =	wrdreg s3  }
0xa9: {  	[dreg:$0x3] =	wrdreg s5  }
0xaa: {  	[dreg:$0x4] =	wrdreg $0xC0  }
0xab: {  	_ =	task [dreg:s7], $0x5FFFF  }
0xac: {  	[dreg:$0x1] =	wrdreg $0xFFFFFFFF  }
0xad: {  	[dreg:$0x0] =	wrdreg $0x60  }
0xae: {  	[dreg:$0x2] =	wrdreg s24  }
0xaf: {  	[dreg:$0x3] =	wrdreg s2  }
0xb0: {  	[dreg:$0x4] =	wrdreg $0x0  }
0xb1: {  	[dreg:$0x5] =	wrdreg $0x9  }
0xb2: {  	_ =	task.clear_ibuf [dreg:s7], $0x6FFFF;
	_ =	strace $0x90000049  }
0xb3: {  	s29 =	simm.s32 $0x9;
	_ =	strace $0x8000004B  }
0xb4: {  	_ =	swait.ge [sflag:s29], $0x1  }
0xb5: {  	[sflag:s29] =	ssyncadd.s32 $0xFFFFFFFF  }
0xb6: {  	_ =	strace $0x9000004B  }
0xb7: {  	_ =	sfence  }
0xb8: {  	s30 =	sld [smem:$0x0];
	_ =	sdelay $0x2  }
0xb9: {  	s31 =	sshll.u32 s1, $0xD;
	s1 =	sshrl.u32 s1, $0x2  }
0xba: {  	s3 =	sand.u32 $0x4000, s31;
	s1 =	sadd.s32 s1, s30  }
0xbb: {  	s0 =	sor.u32 s3, s0;
	s1 =	sshll.u32 s1, $0x11  }
0xbc: {  	s0 =	sor.u32 s1, s0  }
0xbd: {  	s0 =	sadd.s32 $0x8F2B, s0  }
0xbe: {  	[sflag:s0] =	ssyncadd.remote.s32 $0x1  }
0xbf: {  	_ =	sfence.sel $0xFFFF  }
0xc0: {  	[dreg:$0x0] =	wrdreg $0xFFFFFFFF;
	(pc) =	sbr.abs _section_cstart, $3  }
0xc1: {  	[dreg:$0x1] =	wrdreg $0xFFFFFFFF  }
0xc2: {  	_ =	task.clear_ibuf [dreg:s7], $0x2FFFF;
	_ =	strace $0x9FFFFFFF  }
0xc3: {  	(tm) =	ssettm $0x7FFFFFFF  }
tec
execute0_lowered:
.L_overlay_start_1:
0x0: {  	(tag) =	ssettag $0x1  }
0x1: {  	s1 =	srdreg.scid;
	s5 =	rddreg [dreg:$0x0]  }
0x2: {  	s0 =	stileid.u32;
	s2 =	rddreg [dreg:$0x1];
	s22 =	simm.s32 $0x14080  }
0x3: {  	s23 =	simm.s32 $0x80;
	s24 =	simm.s32 $0x0;
	s28 =	smul.u32 $0x9C, s0  }
0x4: {  	s7 =	sand.u32 $0x1, s1;
	s3 =	sshll.u32 s0, $0x1;
	s29 =	smul.u32 $0x50000, s0  }
0x5: {  	s1 =	rddreg [dreg:$0x3];
	s10 =	smul.u32 $0x14000, s0;
	s15 =	sadd.s32 $0x15600, s5  }
0x6: {  	p0 =	slt.u32 s0, $0x2;
	s4 =	smul.u32 $0x4E, s7;
	s6 =	sor.u32 s7, s3  }
0x7: {  	s3 =	rddreg [dreg:$0x2];
	s9 =	ssub.s32 $0x2, s7;
	s20 =	smul.u32 $0x140000, s7  }
0x8: {  	s6 =	smin.u32 s6, $0x4;
	s30 =	sshrl.u32 s9, $0x1;
	s31 =	sshrl.u32 s29, $0x2  }
0x9: {  	s11 =	sadd.s32 $0x4000, s10;
	s13 =	sadd.s32 $0x8000, s10;
	s14 =	sadd.s32 $0xC000, s10  }
0xa: {  	s19 =	sadd.s32 $0x10000, s10;
	s8 =	sadd.s32 s4, s28;
	s4 =	simm.s32 $0x0  }
0xb: {  	s16 =	ssub.s32 s9, s30;
	s7 =	sadd.s32 s13, s3;
	s9 =	sadd.s32 s19, s3  }
0xc: {  	s12 =	sadd.s32 s10, s20;
	s10 =	simm.s32 $0x4F;
	s13 =	sadd.s32 s20, s13  }
0xd: {  	s19 =	sadd.s32 s20, s19;
	s6 =	sadd.s32 s6, s8;
	[smem:$0x7FF] =	sst s4  }
0xe: {  	s12 =	sshrl.u32 s12, $0x3;
	s10 =	simm.s32 @!p0 $0x4E;
	s13 =	sshrl.u32 s13, $0x3  }
0xf: {  	s19 =	sshrl.u32 s19, $0x3;
	s16 =	smax.u32 s16, $0x1;
	s8 =	sshll.u32 s6, $0xB  }
0x10: {  	_ =	strace $0x8000004A;
	s6 =	sshll.u32 s6, $0x4;
	s13 =	sadd.s32 s15, s13  }
0x11: {  	s17 =	sadd.s32 s8, s5;
	s18 =	sadd.s32 s6, s5;
	s5 =	sadd.s32 s31, s3  }
0x12: {  	s6 =	sadd.s32 s11, s3;
	s8 =	sadd.s32 s14, s3;
	s11 =	sadd.s32 s20, s11  }
0x13: {  	s14 =	sadd.s32 s20, s14;
	s20 =	simm.s32 $0x1;
	s21 =	sshrl.u32 s11, $0x3  }
0x14: {  	s11 =	sadd.s32 s15, s12;
	s14 =	sshrl.u32 s14, $0x3;
	s17 =	sadd.s32 $0xEED800, s17  }
0x15: {  	s18 =	sadd.s32 $0xB800, s18;
	s12 =	sadd.s32 s15, s21;
	s14 =	sadd.s32 s15, s14  }
0x16: {  	s15 =	sadd.s32 s15, s19;
	s19 =	simm.s32 $0x18080;
	s21 =	simm.s32 $0x14000  }
.LBB2_1:
0x17: {  	[tilespmem:s19], [sflag:$0x1] =	stream.linear.gather [hbm4b:s2+s4], $0x4000, $0x38;
	[tilespmem:$0x1C080] =	vst v63  }
0x18: {  	_ =	swait.ge [sflag:s20], $0x4000  }
0x19: {  	[sflag:s20] =	ssyncset.done $0x0  }
0x1a: {  	[sflag:s20] =	ssyncadd.s32 $0xFFFFC000  }
0x1b: {  	[spmem:s5] =	stream.linear.scatter [tilespmem:s19], [sflag:$0x1], $0x4000, $0x38;
	[tilespmem:$0x1C080] =	vst v63  }
0x1c: {  	_ =	swait.ge [sflag:s20], $0x4000  }
0x1d: {  	[sflag:s20] =	ssyncset.done $0x0  }
0x1e: {  	[sflag:s20] =	ssyncadd.s32 $0xFFFFC000  }
0x1f: {  	[spmem:s6] =	stream.linear.scatter [tilespmem:s19], [sflag:$0x1], $0x4000, $0x38;
	[tilespmem:$0x1C080] =	vst v63  }
0x20: {  	_ =	swait.ge [sflag:s20], $0x4000  }
0x21: {  	[sflag:s20] =	ssyncset.done $0x0  }
0x22: {  	[sflag:s20] =	ssyncadd.s32 $0xFFFFC000  }
0x23: {  	[spmem:s7] =	stream.linear.scatter [tilespmem:s19], [sflag:$0x1], $0x4000, $0x38;
	[tilespmem:$0x1C080] =	vst v63  }
0x24: {  	_ =	swait.ge [sflag:s20], $0x4000  }
0x25: {  	[sflag:s20] =	ssyncset.done $0x0  }
0x26: {  	[sflag:s20] =	ssyncadd.s32 $0xFFFFC000  }
0x27: {  	[spmem:s8] =	stream.linear.scatter [tilespmem:s19], [sflag:$0x1], $0x4000, $0x38;
	[tilespmem:$0x1C080] =	vst v63  }
0x28: {  	_ =	swait.ge [sflag:s20], $0x4000  }
0x29: {  	[sflag:s20] =	ssyncset.done $0x0  }
0x2a: {  	[sflag:s20] =	ssyncadd.s32 $0xFFFFC000  }
0x2b: {  	[spmem:s9] =	stream.linear.scatter [tilespmem:s19], [sflag:$0x1], $0x4000, $0x38;
	[tilespmem:$0x1C080] =	vst v63  }
0x2c: {  	_ =	swait.ge [sflag:s20], $0x4000  }
0x2d: {  	[sflag:s20] =	ssyncset.done $0x0  }
0x2e: {  	[sflag:s20] =	ssyncadd.s32 $0xFFFFC000  }
0x2f: {  	[bflag:$0x0] =	sbarrier.arrive $0xFFFF  }
0x30: {  	[tilespmem:s21], [sflag:$0x1] =	stream.linear.gather [hbm4b:s18+s4], $0x80, $0x38;
	[tilespmem:$0x1C080] =	vst v63  }
0x31: {  	_ =	swait.ge [sflag:s20], $0x80  }
0x32: {  	[sflag:s20] =	ssyncset.done $0x0  }
0x33: {  	[sflag:s20] =	ssyncadd.s32 $0xFFFFFF80  }
0x34: {  	[tilespmem:s22], [sflag:$0x1] =	stream.linear.gather [hbm4b:s17+s4], $0x4000, $0x38;
	[tilespmem:$0x1C080] =	vst v63  }
0x35: {  	p0 =	sne.s32 s10, $0x1;
	_ =	swait.ge [sflag:s20], $0x4000  }
.Ltmp0:
0x36: {  	[sflag:s20] =	ssyncset.done $0x0;
	(pc) =	sbr.rel @!p0 .LBB2_3-.Ltmp0, $4  }
0x37: {  	[sflag:s20] =	ssyncadd.s32 $0xFFFFC000  }
0x38: {  	[spmem:s3] =	stream.indirect.scatter.add.f32 [tilespmem:s22], [sflag:$0x1], $0x80, s21, s23, $0xb8;
	[tilespmem:$0x1C080] =	vst v63  }
0x39: {  	s25 =	sadd.s32 $0xFFFFFFFF, s10;
	_ =	swait.ge [sflag:s20], $0x4000  }
0x3a: {  	s26 =	smov.u32 s17;
	s28 =	smov.u32 s18;
	[sflag:s20] =	ssyncset.done $0x0  }
.LBB2_2:
0x3b: {  	[sflag:s20] =	ssyncadd.s32 $0xFFFFC000;
	s26 =	sadd.s32 $0x800, s26;
	s28 =	sadd.s32 $0x10, s28  }
0x3c: {  	[tilespmem:s21], [sflag:$0x1] =	stream.linear.gather [hbm4b:s28+s4], $0x80, $0x38;
	[tilespmem:$0x1C080] =	vst v63  }
0x3d: {  	p0 =	sne.s32 s25, $0x1;
	s25 =	sadd.s32 $0xFFFFFFFF, s25;
	_ =	swait.ge [sflag:s20], $0x80  }
0x3e: {  	[sflag:s20] =	ssyncset.done $0x0  }
0x3f: {  	[sflag:s20] =	ssyncadd.s32 $0xFFFFFF80  }
0x40: {  	[tilespmem:s22], [sflag:$0x1] =	stream.linear.gather [hbm4b:s26+s4], $0x4000, $0x38;
	[tilespmem:$0x1C080] =	vst v63  }
0x41: {  	_ =	swait.ge [sflag:s20], $0x4000  }
.Ltmp1:
0x42: {  	[sflag:s20] =	ssyncset.done $0x0;
	(pc) =	sbr.rel @p0 .LBB2_2-.Ltmp1, $4  }
0x43: {  	[sflag:s20] =	ssyncadd.s32 $0xFFFFC000  }
0x44: {  	[spmem:s3] =	stream.indirect.scatter.add.f32 [tilespmem:s22], [sflag:$0x1], $0x80, s21, s23, $0xb8;
	[tilespmem:$0x1C080] =	vst v63  }
0x45: {  	_ =	swait.ge [sflag:s20], $0x4000  }
0x46: {  	[sflag:s20] =	ssyncset.done $0x0  }
.LBB2_3:
0x47: {  	[sflag:s20] =	ssyncadd.s32 $0xFFFFC000  }
0x48: {  	[bflag:$0x0] =	sbarrier.arrive $0xFFFF  }
0x49: {  	[tilespmem:s19], [sflag:$0x1] =	stream.linear.gather [spmem:s5], $0x4000, $0x38;
	[tilespmem:$0x1C080] =	vst v63  }
0x4a: {  	_ =	swait.ge [sflag:s20], $0x4000  }
0x4b: {  	[sflag:s20] =	ssyncset.done $0x0  }
0x4c: {  	[sflag:s20] =	ssyncadd.s32 $0xFFFFC000  }
0x4d: {  	[hbm4b:s11+s4] =	stream.linear.scatter [tilespmem:s19], [sflag:$0x1], $0x4000, $0x38;
	[tilespmem:$0x1C080] =	vst v63  }
0x4e: {  	_ =	swait.ge [sflag:s20], $0x4000  }
0x4f: {  	[sflag:s20] =	ssyncset.done $0x0  }
0x50: {  	[sflag:s20] =	ssyncadd.s32 $0xFFFFC000  }
0x51: {  	[tilespmem:s19], [sflag:$0x1] =	stream.linear.gather [spmem:s6], $0x4000, $0x38;
	[tilespmem:$0x1C080] =	vst v63  }
0x52: {  	_ =	swait.ge [sflag:s20], $0x4000  }
0x53: {  	[sflag:s20] =	ssyncset.done $0x0  }
0x54: {  	[sflag:s20] =	ssyncadd.s32 $0xFFFFC000  }
0x55: {  	[hbm4b:s12+s4] =	stream.linear.scatter [tilespmem:s19], [sflag:$0x1], $0x4000, $0x38;
	[tilespmem:$0x1C080] =	vst v63  }
0x56: {  	_ =	swait.ge [sflag:s20], $0x4000  }
0x57: {  	[sflag:s20] =	ssyncset.done $0x0  }
0x58: {  	[sflag:s20] =	ssyncadd.s32 $0xFFFFC000  }
0x59: {  	[tilespmem:s19], [sflag:$0x1] =	stream.linear.gather [spmem:s7], $0x4000, $0x38;
	[tilespmem:$0x1C080] =	vst v63  }
0x5a: {  	_ =	swait.ge [sflag:s20], $0x4000  }
0x5b: {  	[sflag:s20] =	ssyncset.done $0x0  }
0x5c: {  	[sflag:s20] =	ssyncadd.s32 $0xFFFFC000  }
0x5d: {  	[hbm4b:s13+s4] =	stream.linear.scatter [tilespmem:s19], [sflag:$0x1], $0x4000, $0x38;
	[tilespmem:$0x1C080] =	vst v63  }
0x5e: {  	_ =	swait.ge [sflag:s20], $0x4000  }
0x5f: {  	[sflag:s20] =	ssyncset.done $0x0  }
0x60: {  	[sflag:s20] =	ssyncadd.s32 $0xFFFFC000  }
0x61: {  	[tilespmem:s19], [sflag:$0x1] =	stream.linear.gather [spmem:s8], $0x4000, $0x38;
	[tilespmem:$0x1C080] =	vst v63  }
0x62: {  	_ =	swait.ge [sflag:s20], $0x4000  }
0x63: {  	[sflag:s20] =	ssyncset.done $0x0  }
0x64: {  	[sflag:s20] =	ssyncadd.s32 $0xFFFFC000  }
0x65: {  	[hbm4b:s14+s4] =	stream.linear.scatter [tilespmem:s19], [sflag:$0x1], $0x4000, $0x38;
	[tilespmem:$0x1C080] =	vst v63  }
0x66: {  	_ =	swait.ge [sflag:s20], $0x4000  }
0x67: {  	[sflag:s20] =	ssyncset.done $0x0  }
0x68: {  	[sflag:s20] =	ssyncadd.s32 $0xFFFFC000  }
0x69: {  	[tilespmem:s19], [sflag:$0x1] =	stream.linear.gather [spmem:s9], $0x4000, $0x38;
	[tilespmem:$0x1C080] =	vst v63  }
0x6a: {  	s24 =	sadd.s32 $0x1, s24;
	_ =	swait.ge [sflag:s20], $0x4000  }
0x6b: {  	p0 =	sne.s32 s24, s16;
	[sflag:s20] =	ssyncset.done $0x0  }
.Ltmp2:
0x6c: {  	[sflag:s20] =	ssyncadd.s32 $0xFFFFC000;
	(pc) =	sbr.rel @p0 .LBB2_1-.Ltmp2, $4  }
0x6d: {  	[hbm4b:s15+s4] =	stream.linear.scatter [tilespmem:s19], [sflag:$0x1], $0x4000, $0x38;
	[tilespmem:$0x1C080] =	vst v63  }
0x6e: {  	_ =	swait.ge [sflag:s20], $0x4000  }
0x6f: {  	[sflag:s20] =	ssyncset.done $0x0  }
0x70: {  	[sflag:s20] =	ssyncadd.s32 $0xFFFFC000  }
0x71: {  	_ =	sfence.sel $0x180000  }
0x72: {  	[bflag:$0x0] =	sbarrier.arrive $0xFFFF  }
0x73: {  	p0 =	sne.s32 s0, $0x0;
	_ =	strace $0x9000004A  }
0x74: {  	s0 =	sadd.s32 @!p0 $0x100000, s1;
	[bflag:$0x2] =	sbarrier.arrive $0xFFFF  }
0x75: {  	[sflag:s0] =	ssyncadd.tile.s32 @!p0 $0x1;
	_ =	shalt  }
.Lfunc_end2:
_tile_overlayer_lowered:
.L_overlay_start_2:
0x76: {  	(tag) =	ssettag $0x2  }
0x77: {  	s0 =	rddreg [dreg:$0x0];
	s2 =	stileid.u32  }
0x78: {  	s1 =	rddreg [dreg:$0x1];
	p0 =	sne.s32 s2, $0x0  }
0x79: {  	s3 =	rddreg [dreg:$0x2];
	[bflag:$0x3] =	sbarrier.arrive $0xFFFF;
	s2 =	simm.s32 @!p0 $0x1C01  }
0x7a: {  	[timem:s3], [sflag:s2] =	dma.local @!p0 [hbm:s0], s1  }
0x7b: {  	s0 =	simm.s32 @!p0 $0x1  }
0x7c: {  	_ =	swait.ge @!p0 [sflag:s0], s1  }
0x7d: {  	s1 =	ssub.s32 @!p0 $0x0, s1;
	[sflag:s0] =	ssyncset.done @!p0 $0x0  }
0x7e: {  	[sflag:s0] =	ssyncadd.s32 @!p0 s1  }
0x7f: {  	[bflag:$0x3] =	sbarrier.arrive $0xFFFF  }
0x80: {  	_ =	shalt  }

// kernel: kernel.7.cloned.1.call-start
scs
__scs_entry_jumppad:
0x0: {  	(pc) =	sbr.rel $0x88, $3  }
0x1: {  	(tag) =	ssettag $0x0;
	lr =	simm.s32 $0x1  }
0x2: {  	[smem:$0x3F96] =	sst lr;
	_ =	strace $0xD0000000  }
0x3: {  	_ = 	snop  }
0x4: {  	_ = 	snop  }
0x5: {  	_ = 	snop  }
0x6: {  	_ = 	snop  }
0x7: {  	_ = 	snop  }
__scs_overlays_trampoline_lowered:
0x8: {  	[smem:$0x3FA5] =	sst s0  }
0x9: {  	[smem:$0x3FA6] =	sst s1  }
0xa: {  	[smem:$0x3FA7] =	sst s2  }
0xb: {  	[smem:$0x3FA8] =	sst s3  }
0xc: {  	[smem:$0x3FA9] =	sst s4  }
0xd: {  	[smem:$0x3FAA] =	sst s5  }
0xe: {  	[smem:$0x3FAB] =	sst s6  }
0xf: {  	[smem:$0x3FAC] =	sst s7  }
0x10: {  	[smem:$0x3FAD] =	sst s8  }
0x11: {  	[smem:$0x3FAE] =	sst s9;
	s0 =	simm.s32 @!p0 $0x0  }
0x12: {  	s1 =	sld [smem:$0x3F94];
	s0 =	simm.s32 @p0 $0x1  }
0x13: {  	[smem:$0x3FAF] =	sst s0;
	s0 =	simm.s32 @!p1 $0x0  }
0x14: {  	s2 =	sld [smem:$0x3F93];
	s0 =	simm.s32 @p1 $0x1  }
0x15: {  	[smem:$0x3FB0] =	sst s0;
	s0 =	simm.s32 @!p2 $0x0  }
0x16: {  	s3 =	sld [smem:$0x3FDB];
	s0 =	simm.s32 @p2 $0x1  }
0x17: {  	s4 =	simm.s32 $0x1BF5;
	[smem:$0x3FB2] =	sst s0  }
0x18: {  	s0 =	sld [smem:$0x3F95];
	_ =	swait.ge [sflag:s4], $0x0  }
0x19: {  	s7 =	sld [smem:$0x3F96]  }
0x1a: {  	s8 =	sadd.s32 $0xFFFFE003, lr  }
0x1b: {  	s9 =	sadd.s32 $0xFFFFFEF7, lr;
	s5 =	simm.s32 $0xFFFFFFFF;
	p2 =	slt.u32 s8, $0xFFFFF086  }
0x1c: {  	p1 =	slt.u32 s9, $0xF7A;
	s5 =	simm.s32 @!p2 $0x0  }
0x1d: {  	s5 =	simm.s32 @p1 $0x1;
	p0 =	seq.s32 s7, s2  }
0x1e: {  	s7 =	smul.u32 @!p0 $0xF7A, s2;
	p2 =	seq.s32 @!p0 s5, $0x0  }
0x1f: {  	s9 =	smul.u32 $0xF7A, s1;
	s8 =	simm.s32 @!p0 $0x1BF5;
	p2 =	por !p2, p0  }
0x20: {  	[sflag:s8] =	ssyncset.s32 @!p0 $0xFFFFF086;
	s6 =	sadd.s32 @!p0 s3, s7;
	s7 =	simm.s32 @!p0 $0x108  }
0x21: {  	s3 =	sadd.s32 s3, s9;
	s6 =	sadd.s32 @!p0 $0x88, s6;
	s7 =	simm.s32 @p2 $0x1082  }
0x22: {  	[simem:s7], [sflag:s8] =	dma.local @!p0 [hbm:s6], $0xF7A  }
0x23: {  	s9 =	sor.u32 $0xD0000000, s2;
	s6 =	simm.s32 $0x108;
	_ =	swait.ge @!p0 [sflag:s8], $0x0  }
0x24: {  	s3 =	sadd.s32 $0x88, s3;
	s6 =	simm.s32 @!p1 $0x1082;
	[sflag:s4] =	ssyncset.s32 $0xFFFFF086  }
0x25: {  	[simem:s6], [sflag:s4] =	dma.local [hbm:s3], $0xF7A  }
0x26: {  	[smem:$0x3F96] =	sst s1;
	(tag) =	ssettag s2;
	_ =	strace s9  }
0x27: {  	s1 =	sld [smem:$0x3FA6]  }
0x28: {  	s2 =	sld [smem:$0x3FA7]  }
0x29: {  	s4 =	sld [smem:$0x3FA9]  }
0x2a: {  	p0 =	seq.s32 s5, $0x0;
	s5 =	sld [smem:$0x3FAA]  }
0x2b: {  	s6 =	sld [smem:$0x3FAB]  }
0x2c: {  	s7 =	sld [smem:$0x3FAC]  }
0x2d: {  	s3 =	simm.s32 $0x108;
	s8 =	sld [smem:$0x3FAD]  }
0x2e: {  	s3 =	simm.s32 @!p0 $0x1082;
	s9 =	sld [smem:$0x3FAE]  }
0x2f: {  	lr =	sadd.s32 s0, s3;
	s0 =	sld [smem:$0x3FA5]  }
0x30: {  	s3 =	sld [smem:$0x3FA8]  }
0x31: {  	[smem:$0x3FB1] =	sst s10  }
0x32: {  	s10 =	sld [smem:$0x3FAF];
	_ =	sdelay $0x3  }
0x33: {  	p0 =	seq.s32 s10, $0x1;
	s10 =	sld [smem:$0x3FB1];
	_ =	sdelay $0x3  }
0x34: {  	[smem:$0x3FB1] =	sst s10  }
0x35: {  	s10 =	sld [smem:$0x3FB0];
	_ =	sdelay $0x3  }
0x36: {  	p1 =	seq.s32 s10, $0x1;
	s10 =	sld [smem:$0x3FB1];
	_ =	sdelay $0x3  }
0x37: {  	[smem:$0x3FB1] =	sst s10  }
0x38: {  	s10 =	sld [smem:$0x3FB2]  }
0x39: {  	_ = 	snop;
	(pc) =	sbr.ind lr, $3  }
0x3a: {  	_ = 	snop  }
0x3b: {  	_ = 	snop  }
0x3c: {  	p2 =	seq.s32 s10, $0x1;
	s10 =	sld [smem:$0x3FB1]  }
0x3d: {  	_ =	shalt  }
0x3e: {  	_ =	shalt  }
0x3f: {  	_ =	shalt  }
0x40: {  	_ =	shalt  }
0x41: {  	_ =	shalt  }
0x42: {  	_ =	shalt  }
0x43: {  	_ =	shalt  }
0x44: {  	_ =	shalt  }
0x45: {  	_ =	shalt  }
0x46: {  	_ =	shalt  }
0x47: {  	_ =	shalt  }
0x48: {  	_ =	shalt  }
0x49: {  	_ =	shalt  }
0x4a: {  	_ =	shalt  }
0x4b: {  	_ =	shalt  }
0x4c: {  	_ =	shalt  }
0x4d: {  	_ =	shalt  }
0x4e: {  	_ =	shalt  }
0x4f: {  	_ =	shalt  }
0x50: {  	_ =	shalt  }
0x51: {  	_ =	shalt  }
0x52: {  	_ =	shalt  }
0x53: {  	_ =	shalt  }
0x54: {  	_ =	shalt  }
0x55: {  	_ =	shalt  }
0x56: {  	_ =	shalt  }
0x57: {  	_ =	shalt  }
0x58: {  	_ =	shalt  }
0x59: {  	_ =	shalt  }
0x5a: {  	_ =	shalt  }
0x5b: {  	_ =	shalt  }
0x5c: {  	_ =	shalt  }
0x5d: {  	_ =	shalt  }
0x5e: {  	_ =	shalt  }
0x5f: {  	_ =	shalt  }
0x60: {  	_ =	shalt  }
0x61: {  	_ =	shalt  }
0x62: {  	_ =	shalt  }
0x63: {  	_ =	shalt  }
0x64: {  	_ =	shalt  }
0x65: {  	_ =	shalt  }
0x66: {  	_ =	shalt  }
0x67: {  	_ =	shalt  }
0x68: {  	_ =	shalt  }
0x69: {  	_ =	shalt  }
0x6a: {  	_ =	shalt  }
0x6b: {  	_ =	shalt  }
0x6c: {  	_ =	shalt  }
0x6d: {  	_ =	shalt  }
0x6e: {  	_ =	shalt  }
0x6f: {  	_ =	shalt  }
0x70: {  	_ =	shalt  }
0x71: {  	_ =	shalt  }
0x72: {  	_ =	shalt  }
0x73: {  	_ =	shalt  }
0x74: {  	_ =	shalt  }
0x75: {  	_ =	shalt  }
0x76: {  	_ =	shalt  }
0x77: {  	_ =	shalt  }
0x78: {  	_ =	shalt  }
0x79: {  	_ =	shalt  }
0x7a: {  	_ =	shalt  }
0x7b: {  	_ =	shalt  }
0x7c: {  	_ =	shalt  }
0x7d: {  	_ =	shalt  }
0x7e: {  	_ =	shalt  }
0x7f: {  	_ =	shalt  }
0x80: {  	_ =	shalt  }
0x81: {  	_ =	shalt  }
0x82: {  	_ =	shalt  }
0x83: {  	_ =	shalt  }
0x84: {  	_ =	shalt  }
0x85: {  	_ =	shalt  }
0x86: {  	_ =	shalt  }
0x87: {  	_ =	shalt  }
.Lfunc_end0:
.L_simem_size_0:
called_computation_lowered:
.L_overlay_start_0:
0x88: {  	s2 =	sld [smem:$0x3FD9]  }
0x89: {  	s3 =	sld [smem:$0x3FFE];
	_ =	sdelay $0x1  }
0x8a: {  	s1 =	srdreg.scid  }
0x8b: {  	s0 =	sand.u32 $0x1, s1  }
0x8c: {  	s17 =	sshll.u32 s0, $0xA;
	s2 =	sadd.s32 s3, s2  }
0x8d: {  	s2 =	sadd.s32 s2, s17  }
0x8e: {  	[smem:$0x3FBD] =	sst s2  }
0x8f: {  	_ = 	snop  }
0x90: {  	s2 =	sld [smem:$0x3FD0];
	(tm) =	ssettm $0x1  }
0x91: {  	s18 =	sld [smem:$0x3FFB];
	_ =	sdelay $0x3  }
0x92: {  	_ =	strace s18  }
0x93: {  	s3 =	sld [smem:$0x3FFC];
	_ =	sdelay $0x3  }
0x94: {  	_ =	strace s3  }
0x95: {  	s3 =	sld [smem:$0x3FFD];
	_ =	sdelay $0x3  }
0x96: {  	_ =	strace s3  }
0x97: {  	_ =	strace $0x8FFFFFFF  }
0x98: {  	s19 =	sld [smem:$0x3FDB];
	_ =	sdelay $0x1  }
0x99: {  	s4 =	simm.s32 $_scs_section_size  }
0x9a: {  	s5 =	simm.s32 $_size__tile_overlayer_lowered;
	s6 =	simm.s32 $_tile_overlayer_lowered  }
0x9b: {  	s22 =	simm.s32 $0x1BFF;
	s21 =	sshll.u32 s6, $0x1;
	s3 =	sadd.s32 s4, s19  }
0x9c: {  	s7 =	simm.s32 $0x0;
	s20 =	sshll.u32 s5, $0x1;
	s5 =	sadd.s32 s21, s3  }
0x9d: {  	[timem:s7], [sflag:s22] =	dma.local [hbm:s5], s20  }
0x9e: {  	_ =	swait.ge [sflag:s22], s20  }
0x9f: {  	s4 =	ssub.s32 $0x0, s20;
	[sflag:s22] =	ssyncset.done $0x0  }
0xa0: {  	[sflag:s22] =	ssyncadd.s32 s4;
	_ =	sdelay $0x1  }
0xa1: {  	s23 =	simm.s32 $0x1B8B  }
0xa2: {  	_ =	swait.ge [sflag:s23], $0x1  }
0xa3: {  	[sflag:s23] =	ssyncset.done $0x0  }
0xa4: {  	s25 =	simm.s32 $0x1B8E;
	s24 =	sld [smem:$0x3FFE];
	[sflag:s23] =	ssyncadd.s32 $0xFFFFFFFF  }
0xa5: {  	s26 =	simm.s32 $execute0_lowered;
	[smem:$0x3FD2] =	sst s25  }
0xa6: {  	s5 =	sshll.u32 s26, $0x1;
	_ =	strace $0x80000046;
	[dreg:$0x1] =	wrdreg $0xFFFFFFFF  }
0xa7: {  	s28 =	simm.s32 $_size_execute0_lowered;
	s3 =	sadd.s32 s3, s5;
	[dreg:$0x0] =	wrdreg $0x0  }
0xa8: {  	s5 =	sshll.u32 s28, $0x1;
	[dreg:$0x2] =	wrdreg s3  }
0xa9: {  	[dreg:$0x3] =	wrdreg s5  }
0xaa: {  	[dreg:$0x4] =	wrdreg $0xC0  }
0xab: {  	_ =	task [dreg:s7], $0x5FFFF  }
0xac: {  	[dreg:$0x1] =	wrdreg $0xFFFFFFFF  }
0xad: {  	[dreg:$0x0] =	wrdreg $0x60  }
0xae: {  	[dreg:$0x2] =	wrdreg s2  }
0xaf: {  	[dreg:$0x3] =	wrdreg s24  }
0xb0: {  	[dreg:$0x4] =	wrdreg $0x9  }
0xb1: {  	_ =	task.clear_ibuf [dreg:s7], $0x5FFFF;
	_ =	strace $0x90000046  }
0xb2: {  	s29 =	simm.s32 $0x9;
	_ =	strace $0x80000048  }
0xb3: {  	_ =	swait.ge [sflag:s29], $0x1  }
0xb4: {  	[sflag:s29] =	ssyncadd.s32 $0xFFFFFFFF  }
0xb5: {  	_ =	strace $0x90000048  }
0xb6: {  	_ =	sfence  }
0xb7: {  	s30 =	sld [smem:$0x0];
	_ =	sdelay $0x2  }
0xb8: {  	s31 =	sshll.u32 s1, $0xD;
	s1 =	sshrl.u32 s1, $0x2  }
0xb9: {  	s3 =	sand.u32 $0x4000, s31;
	s1 =	sadd.s32 s1, s30  }
0xba: {  	s0 =	sor.u32 s3, s0;
	s1 =	sshll.u32 s1, $0x11  }
0xbb: {  	s0 =	sor.u32 s1, s0  }
0xbc: {  	s0 =	sadd.s32 $0x8F2B, s0  }
0xbd: {  	[sflag:s0] =	ssyncadd.remote.s32 $0x1  }
0xbe: {  	_ =	sfence.sel $0xFFFF  }
0xbf: {  	[dreg:$0x0] =	wrdreg $0xFFFFFFFF;
	(pc) =	sbr.abs _section_cstart, $3  }
0xc0: {  	[dreg:$0x1] =	wrdreg $0xFFFFFFFF  }
0xc1: {  	_ =	task.clear_ibuf [dreg:s7], $0x2FFFF;
	_ =	strace $0x9FFFFFFF  }
0xc2: {  	(tm) =	ssettm $0x7FFFFFFF  }
0xc3: {  	_ =	shalt  }
tec
execute0_lowered:
.L_overlay_start_1:
0x0: {  	(tag) =	ssettag $0x1  }
0x1: {  	s2 =	rddreg [dreg:$0x0]  }
0x2: {  	s0 =	rddreg [dreg:$0x1]  }
0x3: {  	s1 =	srdreg.scid;
	s12 =	stileid.u32;
	s3 =	simm.s32 $0x0  }
0x4: {  	s15 =	simm.s32 $0x3;
	s16 =	simm.s32 $0x2780;
	s17 =	simm.s32 $0x4F00  }
0x5: {  	s18 =	simm.s32 $0x7680;
	s19 =	simm.s32 $0x7700;
	s20 =	simm.s32 $0x80  }
0x6: {  	s21 =	simm.s32 $0x7780;
	s22 =	simm.s32 $0xB780;
	s23 =	simm.s32 $0xF780  }
0x7: {  	s24 =	simm.s32 $0x1;
	s25 =	simm.s32 $0x2;
	s26 =	simm.s32 $0x0  }
0x8: {  	s1 =	sand.u32 $0x1, s1;
	s4 =	smul.u32 $0x9C, s12;
	s5 =	sshll.u32 s12, $0x1  }
0x9: {  	[smem:$0x7FF] =	sst s3;
	p0 =	slt.u32 s12, $0x2;
	s6 =	smul.u32 $0x4E, s1  }
0xa: {  	s5 =	sor.u32 s1, s5;
	_ =	strace $0x80000047;
	s30 =	ssub.s32 $0x2, s1  }
0xb: {  	s1 =	simm.s32 $0x4F;
	s7 =	smin.u32 s5, $0x4;
	s5 =	sadd.s32 $0x16200, s0  }
0xc: {  	s11 =	sshrl.u32 s30, $0x1;
	s1 =	simm.s32 @!p0 $0x4E;
	s6 =	sadd.s32 s6, s4  }
0xd: {  	s4 =	sadd.s32 $0x16800, s0;
	s31 =	ssub.s32 s30, s11;
	s8 =	sadd.s32 s7, s6  }
0xe: {  	s6 =	sadd.s32 $0x15C00, s0;
	s9 =	sshll.u32 s8, $0xB;
	s8 =	sshll.u32 s8, $0x4  }
0xf: {  	s7 =	sadd.s32 $0x15600, s0;
	s10 =	sadd.s32 s9, s0;
	s8 =	sadd.s32 s8, s0  }
0x10: {  	s9 =	smax.u32 s31, $0x1;
	s0 =	sadd.s32 $0x47800, s10;
	s11 =	sadd.s32 $0x529800, s10  }
0x11: {  	s12 =	sadd.s32 $0xB800, s8;
	s13 =	sadd.s32 $0x1A00, s8;
	s14 =	sadd.s32 $0x3DA00, s8  }
.LBB2_1:
0x12: {  	[tilespmem:s3], [sflag:$0x3] =	stream.linear.gather [hbm4b:s5+s3], $0x2780, $0x38;
	[tilespmem:$0xF800] =	vst v63  }
0x13: {  	_ =	swait.ge [sflag:s15], $0x2780  }
0x14: {  	[sflag:s15] =	ssyncset.done $0x0  }
0x15: {  	[sflag:s15] =	ssyncadd.s32 $0xFFFFD880  }
0x16: {  	[tilespmem:s16], [sflag:$0x3] =	stream.linear.gather [hbm4b:s6+s3], $0x2780, $0x38;
	[tilespmem:$0xF800] =	vst v63  }
0x17: {  	_ =	swait.ge [sflag:s15], $0x2780  }
0x18: {  	[sflag:s15] =	ssyncset.done $0x0  }
0x19: {  	[sflag:s15] =	ssyncadd.s32 $0xFFFFD880  }
0x1a: {  	[tilespmem:s17], [sflag:$0x3] =	stream.linear.gather [hbm4b:s7+s3], $0x2780, $0x38;
	[tilespmem:$0xF800] =	vst v63  }
0x1b: {  	s28 =	smov.u32 s14;
	s29 =	smov.u32 s13;
	_ =	swait.ge [sflag:s15], $0x2780  }
0x1c: {  	s30 =	smov.u32 s12;
	s31 =	smov.u32 s11;
	[sflag:s15] =	ssyncset.done $0x0  }
0x1d: {  	s10 =	smov.u32 s0;
	s8 =	smov.u32 s1;
	[sflag:s15] =	ssyncadd.s32 $0xFFFFD880  }
.LBB2_2:
0x1e: {  	[tilespmem:s18], [sflag:$0x3] =	stream.linear.gather [hbm4b:s30+s3], $0x80, $0x38;
	[tilespmem:$0xF800] =	vst v63  }
0x1f: {  	_ =	swait.ge [sflag:s15], $0x80  }
0x20: {  	[sflag:s15] =	ssyncset.done $0x0  }
0x21: {  	[sflag:s15] =	ssyncadd.s32 $0xFFFFFF80  }
0x22: {  	[tilespmem:s19], [sflag:$0x3] =	stream.linear.gather [hbm4b:s29+s3], $0x80, $0x38;
	[tilespmem:$0xF800] =	vst v63  }
0x23: {  	_ =	swait.ge [sflag:s15], $0x80  }
0x24: {  	[sflag:s15] =	ssyncset.done $0x0  }
0x25: {  	[sflag:s15] =	ssyncadd.s32 $0xFFFFFF80  }
0x26: {  	[tilespmem:s21], [sflag:$0x1] =	stream.indirect.gather [hbm4b:s2+s20], $0x80, s18, s20, $0xb8;
	[tilespmem:$0xF800] =	vst v63  }
0x27: {  	_ = 	snop  }
0x28: {  	[tilespmem:s22], [sflag:$0x2] =	stream.indirect.gather [hbm4b:s4+s20], $0x80, s19, s20, $0xb8;
	[tilespmem:$0xF800] =	vst v63  }
0x29: {  	v0 =	vld [tilespmem:$0x7680]  }
0x2a: {  	v1 =	vld [tilespmem:$0x7700];
	_ =	sdelay $0x6  }
0x2b: {  	v2 =	vld.idx.msk [tilespmem:v0+s3+$0x0], $0xffff  }
0x2c: {  	v3 =	vld.idx.msk [tilespmem:v1+s3+$0x0], $0xffff  }
0x2d: {  	v4 =	vld.idx.msk [tilespmem:v0+s16+$0x0], $0xffff  }
0x2e: {  	v5 =	vld.idx.msk [tilespmem:v1+s16+$0x0], $0xffff  }
0x2f: {  	v0 =	vld.idx.msk [tilespmem:v0+s17+$0x0], $0xffff  }
0x30: {  	v1 =	vld.idx.msk [tilespmem:v1+s17+$0x0], $0xffff;
	_ =	sdelay $0x2  }
0x31: {  	v2 =	vsub.f32 v2, v3;
	v11 =	vsub.f32 v4, v5  }
0x32: {  	v12 =	vld [tilespmem:$0x7690]  }
0x33: {  	v15 =	vld [tilespmem:$0x7710];
	v0 =	vsub.f32 v0, v1;
	v13 =	vmul.f32 v2, v2;
	v14 =	vmul.f32 v11, v11;
	_ =	sdelay $0x1  }
0x34: {  	v0 =	vmul.f32 v0, v0;
	v1 =	vadd.f32 v14, v13;
	_ =	sdelay $0x1  }
0x35: {  	v0 =	vadd.f32 v0, v1;
	_ =	sdelay $0x1  }
0x36: {  	[tilespmem:$0xF780] =	vst v0  }
0x37: {  	v0 =	vld.idx.msk [tilespmem:v12+s3+$0x0], $0xffff  }
0x38: {  	v16 =	vld.idx.msk [tilespmem:v15+s3+$0x0], $0xffff  }
0x39: {  	v17 =	vld.idx.msk [tilespmem:v12+s16+$0x0], $0xffff  }
0x3a: {  	v18 =	vld.idx.msk [tilespmem:v15+s16+$0x0], $0xffff  }
0x3b: {  	v4 =	vld.idx.msk [tilespmem:v12+s17+$0x0], $0xffff  }
0x3c: {  	v3 =	vld.idx.msk [tilespmem:v15+s17+$0x0], $0xffff;
	_ =	sdelay $0x2  }
0x3d: {  	v0 =	vsub.f32 v0, v16;
	v19 =	vsub.f32 v17, v18  }
0x3e: {  	v20 =	vld [tilespmem:$0x76A0]  }
0x3f: {  	v21 =	vld [tilespmem:$0x7720];
	v3 =	vsub.f32 v4, v3;
	v0 =	vmul.f32 v0, v0;
	v1 =	vmul.f32 v19, v19;
	_ =	sdelay $0x1  }
0x40: {  	v22 =	vmul.f32 v3, v3;
	v0 =	vadd.f32 v1, v0;
	_ =	sdelay $0x1  }
0x41: {  	v0 =	vadd.f32 v22, v0;
	_ =	sdelay $0x1  }
0x42: {  	[tilespmem:$0xF790] =	vst v0  }
0x43: {  	v0 =	vld.idx.msk [tilespmem:v20+s3+$0x0], $0xffff  }
0x44: {  	v23 =	vld.idx.msk [tilespmem:v21+s3+$0x0], $0xffff  }
0x45: {  	v24 =	vld.idx.msk [tilespmem:v20+s16+$0x0], $0xffff  }
0x46: {  	v25 =	vld.idx.msk [tilespmem:v21+s16+$0x0], $0xffff  }
0x47: {  	v2 =	vld.idx.msk [tilespmem:v20+s17+$0x0], $0xffff  }
0x48: {  	v4 =	vld.idx.msk [tilespmem:v21+s17+$0x0], $0xffff;
	_ =	sdelay $0x2  }
0x49: {  	v0 =	vsub.f32 v0, v23;
	v26 =	vsub.f32 v24, v25  }
0x4a: {  	v27 =	vld [tilespmem:$0x76B0]  }
0x4b: {  	v28 =	vld [tilespmem:$0x7730];
	v2 =	vsub.f32 v2, v4;
	v0 =	vmul.f32 v0, v0;
	v1 =	vmul.f32 v26, v26;
	_ =	sdelay $0x1  }
0x4c: {  	v29 =	vmul.f32 v2, v2;
	v0 =	vadd.f32 v1, v0;
	_ =	sdelay $0x1  }
0x4d: {  	v0 =	vadd.f32 v29, v0;
	_ =	sdelay $0x1  }
0x4e: {  	[tilespmem:$0xF7A0] =	vst v0  }
0x4f: {  	v0 =	vld.idx.msk [tilespmem:v27+s3+$0x0], $0xffff  }
0x50: {  	v30 =	vld.idx.msk [tilespmem:v28+s3+$0x0], $0xffff  }
0x51: {  	v31 =	vld.idx.msk [tilespmem:v27+s16+$0x0], $0xffff  }
0x52: {  	v32 =	vld.idx.msk [tilespmem:v28+s16+$0x0], $0xffff  }
0x53: {  	v3 =	vld.idx.msk [tilespmem:v27+s17+$0x0], $0xffff  }
0x54: {  	v4 =	vld.idx.msk [tilespmem:v28+s17+$0x0], $0xffff;
	_ =	sdelay $0x2  }
0x55: {  	v0 =	vsub.f32 v0, v30;
	v33 =	vsub.f32 v31, v32  }
0x56: {  	v34 =	vld [tilespmem:$0x76C0]  }
0x57: {  	v35 =	vld [tilespmem:$0x7740];
	v3 =	vsub.f32 v3, v4;
	v0 =	vmul.f32 v0, v0;
	v1 =	vmul.f32 v33, v33;
	_ =	sdelay $0x1  }
0x58: {  	v36 =	vmul.f32 v3, v3;
	v0 =	vadd.f32 v1, v0;
	_ =	sdelay $0x1  }
0x59: {  	v0 =	vadd.f32 v36, v0;
	_ =	sdelay $0x1  }
0x5a: {  	[tilespmem:$0xF7B0] =	vst v0  }
0x5b: {  	v0 =	vld.idx.msk [tilespmem:v34+s3+$0x0], $0xffff  }
0x5c: {  	v37 =	vld.idx.msk [tilespmem:v35+s3+$0x0], $0xffff  }
0x5d: {  	v38 =	vld.idx.msk [tilespmem:v34+s16+$0x0], $0xffff  }
0x5e: {  	v39 =	vld.idx.msk [tilespmem:v35+s16+$0x0], $0xffff  }
0x5f: {  	v2 =	vld.idx.msk [tilespmem:v34+s17+$0x0], $0xffff  }
0x60: {  	v4 =	vld.idx.msk [tilespmem:v35+s17+$0x0], $0xffff;
	_ =	sdelay $0x2  }
0x61: {  	v0 =	vsub.f32 v0, v37;
	v40 =	vsub.f32 v38, v39  }
0x62: {  	v41 =	vld [tilespmem:$0x76D0]  }
0x63: {  	v42 =	vld [tilespmem:$0x7750];
	v2 =	vsub.f32 v2, v4;
	v0 =	vmul.f32 v0, v0;
	v1 =	vmul.f32 v40, v40;
	_ =	sdelay $0x1  }
0x64: {  	v43 =	vmul.f32 v2, v2;
	v0 =	vadd.f32 v1, v0;
	_ =	sdelay $0x1  }
0x65: {  	v0 =	vadd.f32 v43, v0;
	_ =	sdelay $0x1  }
0x66: {  	[tilespmem:$0xF7C0] =	vst v0  }
0x67: {  	v0 =	vld.idx.msk [tilespmem:v41+s3+$0x0], $0xffff  }
0x68: {  	v44 =	vld.idx.msk [tilespmem:v42+s3+$0x0], $0xffff  }
0x69: {  	v45 =	vld.idx.msk [tilespmem:v41+s16+$0x0], $0xffff  }
0x6a: {  	v46 =	vld.idx.msk [tilespmem:v42+s16+$0x0], $0xffff  }
0x6b: {  	v3 =	vld.idx.msk [tilespmem:v41+s17+$0x0], $0xffff  }
0x6c: {  	v4 =	vld.idx.msk [tilespmem:v42+s17+$0x0], $0xffff;
	_ =	sdelay $0x2  }
0x6d: {  	v0 =	vsub.f32 v0, v44;
	v47 =	vsub.f32 v45, v46  }
0x6e: {  	v48 =	vld [tilespmem:$0x76E0]  }
0x6f: {  	v49 =	vld [tilespmem:$0x7760];
	v3 =	vsub.f32 v3, v4;
	v0 =	vmul.f32 v0, v0;
	v1 =	vmul.f32 v47, v47;
	_ =	sdelay $0x1  }
0x70: {  	v50 =	vmul.f32 v3, v3;
	v0 =	vadd.f32 v1, v0;
	_ =	sdelay $0x1  }
0x71: {  	v0 =	vadd.f32 v50, v0;
	_ =	sdelay $0x1  }
0x72: {  	[tilespmem:$0xF7D0] =	vst v0  }
0x73: {  	v0 =	vld.idx.msk [tilespmem:v48+s3+$0x0], $0xffff  }
0x74: {  	v51 =	vld.idx.msk [tilespmem:v49+s3+$0x0], $0xffff  }
0x75: {  	v52 =	vld.idx.msk [tilespmem:v48+s16+$0x0], $0xffff  }
0x76: {  	v53 =	vld.idx.msk [tilespmem:v49+s16+$0x0], $0xffff  }
0x77: {  	v2 =	vld.idx.msk [tilespmem:v48+s17+$0x0], $0xffff  }
0x78: {  	v4 =	vld.idx.msk [tilespmem:v49+s17+$0x0], $0xffff;
	_ =	sdelay $0x2  }
0x79: {  	v0 =	vsub.f32 v0, v51;
	v54 =	vsub.f32 v52, v53  }
0x7a: {  	v55 =	vld [tilespmem:$0x76F0]  }
0x7b: {  	v56 =	vld [tilespmem:$0x7770];
	v2 =	vsub.f32 v2, v4;
	v0 =	vmul.f32 v0, v0;
	v1 =	vmul.f32 v54, v54;
	_ =	sdelay $0x1  }
0x7c: {  	v57 =	vmul.f32 v2, v2;
	v0 =	vadd.f32 v1, v0;
	_ =	sdelay $0x1  }
0x7d: {  	v0 =	vadd.f32 v57, v0;
	_ =	sdelay $0x1  }
0x7e: {  	[tilespmem:$0xF7E0] =	vst v0  }
0x7f: {  	v0 =	vld.idx.msk [tilespmem:v55+s3+$0x0], $0xffff  }
0x80: {  	v58 =	vld.idx.msk [tilespmem:v56+s3+$0x0], $0xffff  }
0x81: {  	v59 =	vld.idx.msk [tilespmem:v55+s16+$0x0], $0xffff  }
0x82: {  	v60 =	vld.idx.msk [tilespmem:v56+s16+$0x0], $0xffff  }
0x83: {  	v3 =	vld.idx.msk [tilespmem:v55+s17+$0x0], $0xffff  }
0x84: {  	v4 =	vld.idx.msk [tilespmem:v56+s17+$0x0], $0xffff;
	_ =	sdelay $0x2  }
0x85: {  	v0 =	vsub.f32 v0, v58;
	v61 =	vsub.f32 v59, v60;
	_ =	sdelay $0x1  }
0x86: {  	v62 =	vsub.f32 v3, v4;
	v0 =	vmul.f32 v0, v0;
	v1 =	vmul.f32 v61, v61;
	_ =	sdelay $0x1  }
0x87: {  	v63 =	vmul.f32 v62, v62;
	v0 =	vadd.f32 v1, v0;
	_ =	sdelay $0x1  }
0x88: {  	v0 =	vadd.f32 v63, v0;
	_ =	sdelay $0x1  }
0x89: {  	[tilespmem:$0xF7F0] =	vst v0  }
0x8a: {  	[hbm4b:s28+s3] =	stream.linear.scatter [tilespmem:s23], [sflag:$0x3], $0x80, $0x38;
	[tilespmem:$0xF800] =	vst v63  }
0x8b: {  	_ =	swait.ge [sflag:s15], $0x80  }
0x8c: {  	[sflag:s15] =	ssyncset.done $0x0  }
0x8d: {  	[sflag:s15] =	ssyncadd.s32 $0xFFFFFF80  }
0x8e: {  	_ =	swait.ge [sflag:s24], $0x4000  }
0x8f: {  	[sflag:s24] =	ssyncset.done $0x0  }
0x90: {  	[sflag:s24] =	ssyncadd.s32 $0xFFFFC000  }
0x91: {  	_ =	swait.ge [sflag:s25], $0x4000  }
0x92: {  	[sflag:s25] =	ssyncset.done $0x0  }
0x93: {  	[sflag:s25] =	ssyncadd.s32 $0xFFFFC000  }
0x94: {  	[hbm4b:s10+s3] =	stream.linear.scatter [tilespmem:s21], [sflag:$0x3], $0x4000, $0x38;
	[tilespmem:$0xF800] =	vst v63  }
0x95: {  	_ =	swait.ge [sflag:s15], $0x4000  }
0x96: {  	p0 =	sne.s32 s8, $0x1;
	[sflag:s15] =	ssyncset.done $0x0  }
.Ltmp0:
0x97: {  	[sflag:s15] =	ssyncadd.s32 $0xFFFFC000;
	(pc) =	sbr.rel @p0 .LBB2_2-.Ltmp0, $4  }
0x98: {  	[hbm4b:s31+s3] =	stream.linear.scatter [tilespmem:s22], [sflag:$0x3], $0x4000, $0x38;
	[tilespmem:$0xF800] =	vst v63  }
0x99: {  	s30 =	sadd.s32 $0x10, s30;
	s8 =	sadd.s32 $0xFFFFFFFF, s8;
	_ =	swait.ge [sflag:s15], $0x4000  }
0x9a: {  	s29 =	sadd.s32 $0x10, s29;
	s28 =	sadd.s32 $0x10, s28;
	[sflag:s15] =	ssyncset.done $0x0  }
0x9b: {  	s10 =	sadd.s32 $0x800, s10;
	s31 =	sadd.s32 $0x800, s31;
	[sflag:s15] =	ssyncadd.s32 $0xFFFFC000  }
0x9c: {  	s26 =	sadd.s32 $0x1, s26  }
0x9d: {  	p0 =	sne.s32 s26, s9  }
.Ltmp1:
0x9e: {  	_ = 	snop;
	(pc) =	sbr.rel @p0 .LBB2_1-.Ltmp1, $1  }
0x9f: {  	_ =	sdelay $0x3  }
0xa0: {  	_ =	sfence.sel $0x180000  }
0xa1: {  	[bflag:$0x0] =	sbarrier.arrive $0xFFFF  }
0xa2: {  	_ =	strace $0x90000047  }
0xa3: {  	s0 =	stileid.u32;
	[bflag:$0x2] =	sbarrier.arrive $0xFFFF  }
0xa4: {  	p0 =	sne.s32 s0, $0x0;
	s0 =	rddreg [dreg:$0x2]  }
0xa5: {  	s0 =	sadd.s32 @!p0 $0x100000, s0  }
0xa6: {  	[sflag:s0] =	ssyncadd.tile.s32 @!p0 $0x1;
	_ =	shalt  }
.Lfunc_end2:
_tile_overlayer_lowered:
.L_overlay_start_2:
0xa7: {  	(tag) =	ssettag $0x2  }
0xa8: {  	s0 =	rddreg [dreg:$0x0];
	s2 =	stileid.u32  }
0xa9: {  	s1 =	rddreg [dreg:$0x1];
	p0 =	sne.s32 s2, $0x0  }
0xaa: {  	s3 =	rddreg [dreg:$0x2];
	[bflag:$0x3] =	sbarrier.arrive $0xFFFF;
	s2 =	simm.s32 @!p0 $0x1C03  }
0xab: {  	[timem:s3], [sflag:s2] =	dma.local @!p0 [hbm:s0], s1  }
0xac: {  	s0 =	simm.s32 @!p0 $0x3  }
0xad: {  	_ =	swait.ge @!p0 [sflag:s0], s1  }
0xae: {  	s1 =	ssub.s32 @!p0 $0x0, s1;
	[sflag:s0] =	ssyncset.done @!p0 $0x0  }
0xaf: {  	[sflag:s0] =	ssyncadd.s32 @!p0 s1  }
0xb0: {  	[bflag:$0x3] =	sbarrier.arrive $0xFFFF  }
0xb1: {  	_ =	shalt  }

</sc_bundles>
